<compile_context>
chip_gen: v7x
topology: tpu7x:2x2x1
jax: 0.10.2.dev20260603
libtpu: 0.0.44.dev20260713+nightly
codegen_flags: <defaults>
</compile_context>

<pallas_src>
import jax
import jax.numpy as jnp
from jax import lax
from jax.experimental import pallas as pl
from jax.experimental.pallas import tpu as pltpu
from jax.experimental.pallas import tpu_sc as plsc

N_ = 10000
E_ = 320000
D_ = 128
H_ = 64
G_ = 64
R_ = 4
NREACT_ = 10

NC_ = 2
NS_ = 16
NW_ = NC_ * NS_
L_ = 16

C_ = 128
NCHUNK_ = -(-E_ // (NW_ * C_))
E_PAD_ = NW_ * NCHUNK_ * C_
W_ = 128
NPAD_ = 10240
RPT_ = NPAD_ // NS_
ZB_ = 128

BN_ = 1000


def _gidx_body(s_ref, t_ref, o_ref):
    o_ref[...] = t_ref[...] * N_ + s_ref[...]


def _gidx(src2, typ2):
    return pl.pallas_call(
        _gidx_body,
        out_shape=jax.ShapeDtypeStruct((E_PAD_ // C_, C_), jnp.int32),
    )(src2, typ2)


def _prep_body(nf_ref, cm_ref, wf_ref, bf_ref, ni_ref):
    ni_ref[...] = nf_ref[...] + cm_ref[...] * wf_ref[1:2, :] + bf_ref[...]


def _prep(node_feature, cm, w_flag, b_flag2):
    return pl.pallas_call(
        _prep_body,
        grid=(N_ // BN_,),
        in_specs=[
            pl.BlockSpec((BN_, D_), lambda i: (i, 0)),
            pl.BlockSpec((BN_, 1), lambda i: (i, 0)),
            pl.BlockSpec((2, D_), lambda i: (0, 0)),
            pl.BlockSpec((1, D_), lambda i: (0, 0)),
        ],
        out_specs=pl.BlockSpec((BN_, D_), lambda i: (i, 0)),
        out_shape=jax.ShapeDtypeStruct((N_, D_), jnp.float32),
    )(node_feature, cm, w_flag, b_flag2)


def _relmm_body(x_ref, w_ref, o_ref):
    f32 = jnp.float32
    y = jnp.dot(x_ref[...], w_ref[0], preferred_element_type=f32)
    tail = jnp.concatenate(
        [jnp.ones((BN_, 1), f32), jnp.zeros((BN_, W_ - H_ - 1), f32)], axis=1)
    o_ref[...] = jnp.concatenate([y, tail], axis=1)


def _relmm(x, w_rel):
    din = x.shape[1]
    return pl.pallas_call(
        _relmm_body,
        grid=(R_, N_ // BN_),
        in_specs=[
            pl.BlockSpec((BN_, din), lambda r, i: (i, 0)),
            pl.BlockSpec((1, din, H_), lambda r, i: (r, 0, 0)),
        ],
        out_specs=pl.BlockSpec((BN_, W_), lambda r, i: (r * (N_ // BN_) + i, 0)),
        out_shape=jax.ShapeDtypeStruct((R_ * N_, W_), jnp.float32),
    )(x, w_rel)


def _sc_edge_body(y_hbm, gi_hbm, di_hbm, part_hbm,
                  gi_v, di_v, rows_v, acc_sh, sem):
    cid = lax.axis_index("c")
    sid = lax.axis_index("s")
    wid = sid * NC_ + cid

    def zfill(k, c):
        rows_v[k >> 3, pl.ds((k & 7) * L_, L_)] = jnp.zeros((L_,), jnp.float32)
        return c
    lax.fori_loop(0, ZB_ * (W_ // L_), zfill, 0)
    for b in range(RPT_ // ZB_):
        pltpu.sync_copy(rows_v, acc_sh.at[pl.ds(sid * RPT_ + b * ZB_, ZB_)])

    pltpu.sync_copy(gi_hbm.at[wid], gi_v)
    pltpu.sync_copy(di_hbm.at[wid], di_v)

    plsc.subcore_barrier()

    def chunk(j, c):
        pltpu.async_copy(y_hbm.at[gi_v.at[j]], rows_v, sem).wait()
        pltpu.sync_copy(rows_v, acc_sh.at[di_v.at[j]], add=True)
        return c
    lax.fori_loop(0, NCHUNK_, chunk, 0)

    plsc.subcore_barrier()

    pltpu.sync_copy(acc_sh.at[pl.ds(sid * RPT_, RPT_)],
                    part_hbm.at[cid, pl.ds(sid * RPT_, RPT_)])


_sc_pass = pl.kernel(
    _sc_edge_body,
    out_type=jax.ShapeDtypeStruct((NC_, NPAD_, W_), jnp.float32),
    mesh=plsc.VectorSubcoreMesh(core_axis_name="c", subcore_axis_name="s"),
    scratch_types=[
        pltpu.VMEM((NCHUNK_, C_), jnp.int32),
        pltpu.VMEM((NCHUNK_, C_), jnp.int32),
        pltpu.VMEM((C_, W_), jnp.float32),
        pltpu.VMEM_SHARED((NPAD_, W_), jnp.float32),
        pltpu.SemaphoreType.DMA,
    ],
)


def _layer_body(x_ref, p_ref, ws_ref, bs_ref, h_ref):
    p = p_ref[0, :, 0:H_] + p_ref[1, :, 0:H_]
    dg = p_ref[0, :, H_:H_ + 1] + p_ref[1, :, H_:H_ + 1]
    agg = p / jnp.maximum(dg, 1.0)
    h_ref[...] = jnp.maximum(
        jnp.dot(x_ref[...], ws_ref[...], preferred_element_type=jnp.float32)
        + bs_ref[...] + agg, 0.0)


def _layer(x, part, w_self, b_self2):
    din = x.shape[1]
    return pl.pallas_call(
        _layer_body,
        grid=(N_ // BN_,),
        in_specs=[
            pl.BlockSpec((BN_, din), lambda i: (i, 0)),
            pl.BlockSpec((NC_, BN_, W_), lambda i: (0, i, 0)),
            pl.BlockSpec((din, H_), lambda i: (0, 0)),
            pl.BlockSpec((1, H_), lambda i: (0, 0)),
        ],
        out_specs=pl.BlockSpec((BN_, H_), lambda i: (i, 0)),
        out_shape=jax.ShapeDtypeStruct((N_, H_), jnp.float32),
    )(x, part, w_self, b_self2)


def _pool_body(h1_ref, h2_ref, h3_ref, b_ref, r_ref, gc_ref):
    f32 = jnp.float32
    nf = jnp.concatenate([h1_ref[...], h2_ref[...], h3_ref[...]], axis=1)
    bot = (b_ref[...] == lax.broadcasted_iota(jnp.int32, (G_, N_), 0)).astype(f32)
    seg = jnp.dot(bot, nf, preferred_element_type=f32)
    cnt = jnp.sum(bot, axis=1).reshape(G_, 1)
    gf = seg / jnp.maximum(cnt, 1.0)
    oh = (r_ref[...] == lax.broadcasted_iota(jnp.int32, (G_, NREACT_), 1)).astype(f32)
    gc_ref[...] = jnp.concatenate([gf, oh], axis=1)


def _pool(h1, h2, h3, batch_row, reaction_col):
    return pl.pallas_call(
        _pool_body,
        out_shape=jax.ShapeDtypeStruct((G_, 3 * H_ + NREACT_), jnp.float32),
    )(h1, h2, h3, batch_row, reaction_col)


def _ctx_body(h1_ref, h2_ref, h3_ref, nf_ref, b_ref, gc_ref, out_ref):
    f32 = jnp.float32
    bo = (b_ref[...] == lax.broadcasted_iota(jnp.int32, (BN_, G_), 1)).astype(f32)
    gcb = jnp.dot(bo, gc_ref[...], preferred_element_type=f32)
    out_ref[...] = jnp.concatenate(
        [h1_ref[...], h2_ref[...], h3_ref[...], nf_ref[...], gcb], axis=1)


def _ctx(h1, h2, h3, node_feature, batch_col, gc):
    dctx = 3 * H_ + D_ + (3 * H_ + NREACT_)
    return pl.pallas_call(
        _ctx_body,
        grid=(N_ // BN_,),
        in_specs=[
            pl.BlockSpec((BN_, H_), lambda i: (i, 0)),
            pl.BlockSpec((BN_, H_), lambda i: (i, 0)),
            pl.BlockSpec((BN_, H_), lambda i: (i, 0)),
            pl.BlockSpec((BN_, D_), lambda i: (i, 0)),
            pl.BlockSpec((BN_, 1), lambda i: (i, 0)),
            pl.BlockSpec((G_, 3 * H_ + NREACT_), lambda i: (0, 0)),
        ],
        out_specs=pl.BlockSpec((BN_, dctx), lambda i: (i, 0)),
        out_shape=jax.ShapeDtypeStruct((N_, dctx), jnp.float32),
    )(h1, h2, h3, node_feature, batch_col, gc)


def kernel(node_feature, edge_index, edge_type, batch, center_mask, reaction,
           W_flag, b_flag, W_self0, b_self0, W_rel0, W_self1, b_self1, W_rel1,
           W_self2, b_self2, W_rel2):
    f32 = jnp.float32
    i32 = jnp.int32
    src = edge_index[0].astype(i32)
    dst = edge_index[1].astype(i32)
    typ = edge_type.astype(i32)
    pad = E_PAD_ - E_
    src_p = jnp.concatenate([src, jnp.zeros((pad,), i32)])
    typ_p = jnp.concatenate([typ, jnp.zeros((pad,), i32)])
    dst_p = jnp.concatenate([dst, jnp.full((pad,), N_, i32)])

    gidx3 = _gidx(src_p.reshape(E_PAD_ // C_, C_),
                  typ_p.reshape(E_PAD_ // C_, C_)).reshape(NW_, NCHUNK_, C_)
    dst3 = dst_p.reshape(NW_, NCHUNK_, C_)

    cm = center_mask.astype(f32).reshape(N_, 1)
    ni = _prep(node_feature, cm, W_flag, b_flag.reshape(1, D_))

    h = ni
    hs = []
    for w_rel, w_self, b_self in (
            (W_rel0, W_self0, b_self0),
            (W_rel1, W_self1, b_self1),
            (W_rel2, W_self2, b_self2)):
        y = _relmm(h, w_rel)
        part = _sc_pass(y, gidx3, dst3)
        h = _layer(h, part, w_self, b_self.reshape(1, H_))
        hs.append(h)
    h1, h2, h3 = hs

    gc = _pool(h1, h2, h3, batch.astype(i32).reshape(1, N_),
               reaction.astype(i32).reshape(G_, 1))
    nc = _ctx(h1, h2, h3, node_feature, batch.astype(i32).reshape(N_, 1), gc)
    return (nc, gc)

# --- scband reference (transcript-rebuilt; emitter-appended) ---
"""Pipeline reference for scband-synthon-completion-model-38165079392556 (READ-ONLY COPY).

The authoritative reference and input builder live on the scoring server;
editing this copy changes nothing except your own understanding.
"""

import jax, jax.numpy as jnp
import numpy as np

N = 10000
E = 320000
D = 128
H = 64
G = 64
R = 4
NREACT = 10
NUM_LAYERS = 3

def _glorot(key, shape, fan_in):
    return (jax.random.uniform(key, shape, dtype=jnp.float32) * 2.0 - 1.0) * (1.0 / np.sqrt(fan_in))

def setup_inputs(seed: int = 0):
    key = jax.random.key(seed)
    ks = jax.random.split(key, 24)
    inp = {}
    inp["node_feature"] = jax.random.normal(ks[0], (N, D), dtype=jnp.float32)
    inp["edge_index"] = jax.random.randint(ks[1], (2, E), 0, N)
    inp["edge_type"] = jax.random.randint(ks[2], (E,), 0, R)
    inp["batch"] = jnp.sort(jax.random.randint(ks[3], (N,), 0, G))
    inp["center_mask"] = jax.random.randint(ks[4], (N,), 0, 2).astype(jnp.bool_)
    inp["reaction"] = jax.random.randint(ks[5], (G,), 0, NREACT)
    inp["W_flag"] = _glorot(ks[6], (2, D), 2)
    inp["b_flag"] = jnp.zeros((D,), jnp.float32)
    dims = [D, H, H, H]
    for i in range(NUM_LAYERS):
        inp["W_self%d" % i] = _glorot(ks[7 + 3 * i], (dims[i], H), dims[i])
        inp["b_self%d" % i] = jnp.zeros((H,), jnp.float32)
        inp["W_rel%d" % i] = _glorot(ks[8 + 3 * i], (R, dims[i], H), dims[i])
    return inp

def _rgcn_layer(x, src, dst, edge_type, W_self, b_self, W_rel):
    n = x.shape[0]
    xs = x[src]
    msgs = jnp.zeros((xs.shape[0], W_self.shape[1]), dtype=x.dtype)
    for r in range(W_rel.shape[0]):
        msgs = jnp.where((edge_type == r)[:, None], xs @ W_rel[r], msgs)
    agg = jax.ops.segment_sum(msgs, dst, num_segments=n)
    deg = jax.ops.segment_sum(jnp.ones((dst.shape[0],), x.dtype), dst, num_segments=n)
    agg = agg / jnp.maximum(deg, 1.0)[:, None]
    return jax.nn.relu(x @ W_self + b_self + agg)

def reference(node_feature, edge_index, edge_type, batch, center_mask, reaction, W_flag, b_flag, W_self0, b_self0, W_rel0, W_self1, b_self1, W_rel1, W_self2, b_self2, W_rel2):
    src = edge_index[0]
    dst = edge_index[1]
    flags = jnp.stack([jnp.zeros((node_feature.shape[0],), jnp.float32), center_mask.astype(jnp.float32)], axis=-1)
    node_input = node_feature + flags @ W_flag + b_flag
    params = [(W_self0, b_self0, W_rel0), (W_self1, b_self1, W_rel1), (W_self2, b_self2, W_rel2)]
    h = node_input
    hiddens = []
    for (Ws, bs, Wr) in params:
        h = _rgcn_layer(h, src, dst, edge_type, Ws, bs, Wr)
        hiddens.append(h)
    nf = jnp.concatenate(hiddens, axis=-1)
    seg_sum = jax.ops.segment_sum(nf, batch, num_segments=G)
    counts = jax.ops.segment_sum(jnp.ones((nf.shape[0],), jnp.float32), batch, num_segments=G)
    graph_feature = seg_sum / jnp.maximum(counts, 1.0)[:, None]
    reaction_one_hot = jax.nn.one_hot(reaction, NREACT, dtype=jnp.float32)
    graph_context = jnp.concatenate([graph_feature, reaction_one_hot], axis=-1)
    node_context = jnp.concatenate([nf, node_feature, graph_context[batch]], axis=-1)
    return (node_context, graph_context)

if __name__ == "__main__":
    import jax
    _d = setup_inputs()
    print(jax.jit(kernel)(*tuple(_d.values())))

</pallas_src>

<mosaic_0001>
#map = affine_map<(d0, d1) -> (0, 0)>
#map1 = affine_map<(d0, d1) -> (0, 0, 0)>
module attributes {stable_mosaic.version = 14 : i64} {
  func.func @_sc_edge_body(%arg0: i32, %arg1: i32, %arg2: memref<40000x128xf32, #tpu.memory_space<hbm>>, %arg3: memref<32x79x128xi32, #tpu.memory_space<hbm>>, %arg4: memref<32x79x128xi32, #tpu.memory_space<hbm>>, %arg5: memref<2x10240x128xf32, #tpu.memory_space<hbm>>, %arg6: memref<79x128xi32, #tpu.memory_space<vmem>>, %arg7: memref<79x128xi32, #tpu.memory_space<vmem>>, %arg8: memref<128x128xf32, #tpu.memory_space<vmem>>, %arg9: memref<10240x128xf32, #tpu.memory_space<vmem_shared>>, %arg10: memref<!tpu.dma_semaphore, #tpu.memory_space<semaphore_mem>>) attributes {dimension_semantics = [#tpu.dimension_semantics<core_parallel>, #tpu.dimension_semantics<subcore_parallel>], iteration_bounds = array<i64: 2, 16>, scalar_prefetch = 0 : i64, scratch_operands = 5 : i64, tpu.core_type = #tpu.core_type<sc_vector_subcore>, window_params = [{transform_indices = #map}, {transform_indices = #map1}, {transform_indices = #map1}, {transform_indices = #map1}]} {
    %mul3A = arith.constant 2 : i32
    %mul3A_0 = arith.muli %arg1, %mul3A : i32
    %add3A = arith.addi %mul3A_0, %arg0 : i32
    %scan3A = arith.constant 0 : i32
    %scan3A_1 = arith.constant 0 : i32
    %scan3A_2 = arith.constant 1024 : i32
    %scan3A_3 = arith.addi %scan3A_1, %scan3A_2 : i32
    %scan3A_4 = arith.constant 1 : i32
    scf.for %scan3A_37 = %scan3A_1 to %scan3A_3 step %scan3A_4  : i32 {
      %broadcast_in_dim3A = arith.constant 0.000000e+00 : f32
      %broadcast_in_dim3A_38 = vector.broadcast %broadcast_in_dim3A : f32 to vector<16xf32>
      %shift_right_arithmetic3A = arith.constant 3 : i32
      %shift_right_arithmetic3A_39 = arith.shrsi %scan3A_37, %shift_right_arithmetic3A : i32
      %and3A = arith.constant 7 : i32
      %and3A_40 = arith.andi %scan3A_37, %and3A : i32
      %mul3A_41 = arith.constant 16 : i32
      %mul3A_42 = arith.muli %and3A_40, %mul3A_41 : i32
      %swap3A = arith.index_cast %shift_right_arithmetic3A_39 : i32 to index
      %swap3A_43 = arith.index_cast %mul3A_42 : i32 to index
      %swap3A_44 = tpu.vector_load %arg8[%swap3A, %swap3A_43] {strides = array<i32>} : memref<128x128xf32, #tpu.memory_space<vmem>>, vector<1x16xf32>,
      %swap3A_45 = vector.shape_cast %swap3A_44 : vector<1x16xf32> to vector<16xf32>
      %swap3A_46 = vector.shape_cast %broadcast_in_dim3A_38 : vector<16xf32> to vector<1x16xf32>
      tpu.vector_store %arg8[%swap3A, %swap3A_43], %swap3A_46 {strides = array<i32>} : memref<128x128xf32, #tpu.memory_space<vmem>>, vector<1x16xf32>,
    }
    %scan3A_5 = arith.constant 1024 : i32
    %mul3A_6 = arith.constant 640 : i32
    %mul3A_7 = arith.muli %arg1, %mul3A_6 : i32
    %add3A_8 = arith.constant 0 : i32
    %add3A_9 = arith.addi %mul3A_7, %add3A_8 : i32
    "tpu.region"() ({
      %run_scoped3A = tpu.sem_alloc : memref<!tpu.dma_semaphore, #tpu.memory_space<semaphore_mem>>
      %dma_start3A = arith.constant 0 : i32
      %dma_start3A_37 = tpu.memref_slice %arg9[%add3A_9, %dma_start3A] : memref<10240x128xf32, #tpu.memory_space<vmem_shared>> -> memref<128x128xf32, #tpu.memory_space<vmem_shared>>
      %dma_start3A_38 = arith.constant 0 : i32
      %dma_start3A_39 = tpu.memref_slice %arg9[%add3A_9, %dma_start3A_38] : memref<10240x128xf32, #tpu.memory_space<vmem_shared>> -> memref<128x128xf32, #tpu.memory_space<vmem_shared>>
      tpu.enqueue_dma source(%arg8 : memref<128x128xf32, #tpu.memory_space<vmem>>) target(%dma_start3A_39 : memref<128x128xf32, #tpu.memory_space<vmem_shared>>) target_semaphore(%run_scoped3A : memref<!tpu.dma_semaphore, #tpu.memory_space<semaphore_mem>>)
      %dma_wait3A = arith.constant 0 : i32
      %dma_wait3A_40 = tpu.memref_slice %arg9[%add3A_9, %dma_wait3A] : memref<10240x128xf32, #tpu.memory_space<vmem_shared>> -> memref<128x128xf32, #tpu.memory_space<vmem_shared>>
      %dma_wait3A_41 = arith.constant 0 : i32
      %dma_wait3A_42 = tpu.memref_slice %arg9[%add3A_9, %dma_wait3A_41] : memref<10240x128xf32, #tpu.memory_space<vmem_shared>> -> memref<128x128xf32, #tpu.memory_space<vmem_shared>>
      tpu.wait_dma2 semaphore(%run_scoped3A : memref<!tpu.dma_semaphore, #tpu.memory_space<semaphore_mem>>) src(%arg8 : memref<128x128xf32, #tpu.memory_space<vmem>>) dst(%dma_wait3A_42 : memref<128x128xf32, #tpu.memory_space<vmem_shared>>)
      tpu.yield
    }) : () -> ()
    %mul3A_10 = arith.constant 640 : i32
    %mul3A_11 = arith.muli %arg1, %mul3A_10 : i32
    %add3A_12 = arith.constant 128 : i32
    %add3A_13 = arith.addi %mul3A_11, %add3A_12 : i32
    "tpu.region"() ({
      %run_scoped3A = tpu.sem_alloc : memref<!tpu.dma_semaphore, #tpu.memory_space<semaphore_mem>>
      %dma_start3A = arith.constant 0 : i32
      %dma_start3A_37 = tpu.memref_slice %arg9[%add3A_13, %dma_start3A] : memref<10240x128xf32, #tpu.memory_space<vmem_shared>> -> memref<128x128xf32, #tpu.memory_space<vmem_shared>>
      %dma_start3A_38 = arith.constant 0 : i32
      %dma_start3A_39 = tpu.memref_slice %arg9[%add3A_13, %dma_start3A_38] : memref<10240x128xf32, #tpu.memory_space<vmem_shared>> -> memref<128x128xf32, #tpu.memory_space<vmem_shared>>
      tpu.enqueue_dma source(%arg8 : memref<128x128xf32, #tpu.memory_space<vmem>>) target(%dma_start3A_39 : memref<128x128xf32, #tpu.memory_space<vmem_shared>>) target_semaphore(%run_scoped3A : memref<!tpu.dma_semaphore, #tpu.memory_space<semaphore_mem>>)
      %dma_wait3A = arith.constant 0 : i32
      %dma_wait3A_40 = tpu.memref_slice %arg9[%add3A_13, %dma_wait3A] : memref<10240x128xf32, #tpu.memory_space<vmem_shared>> -> memref<128x128xf32, #tpu.memory_space<vmem_shared>>
      %dma_wait3A_41 = arith.constant 0 : i32
      %dma_wait3A_42 = tpu.memref_slice %arg9[%add3A_13, %dma_wait3A_41] : memref<10240x128xf32, #tpu.memory_space<vmem_shared>> -> memref<128x128xf32, #tpu.memory_space<vmem_shared>>
      tpu.wait_dma2 semaphore(%run_scoped3A : memref<!tpu.dma_semaphore, #tpu.memory_space<semaphore_mem>>) src(%arg8 : memref<128x128xf32, #tpu.memory_space<vmem>>) dst(%dma_wait3A_42 : memref<128x128xf32, #tpu.memory_space<vmem_shared>>)
      tpu.yield
    }) : () -> ()
    %mul3A_14 = arith.constant 640 : i32
    %mul3A_15 = arith.muli %arg1, %mul3A_14 : i32
    %add3A_16 = arith.constant 256 : i32
    %add3A_17 = arith.addi %mul3A_15, %add3A_16 : i32
    "tpu.region"() ({
      %run_scoped3A = tpu.sem_alloc : memref<!tpu.dma_semaphore, #tpu.memory_space<semaphore_mem>>
      %dma_start3A = arith.constant 0 : i32
      %dma_start3A_37 = tpu.memref_slice %arg9[%add3A_17, %dma_start3A] : memref<10240x128xf32, #tpu.memory_space<vmem_shared>> -> memref<128x128xf32, #tpu.memory_space<vmem_shared>>
      %dma_start3A_38 = arith.constant 0 : i32
      %dma_start3A_39 = tpu.memref_slice %arg9[%add3A_17, %dma_start3A_38] : memref<10240x128xf32, #tpu.memory_space<vmem_shared>> -> memref<128x128xf32, #tpu.memory_space<vmem_shared>>
      tpu.enqueue_dma source(%arg8 : memref<128x128xf32, #tpu.memory_space<vmem>>) target(%dma_start3A_39 : memref<128x128xf32, #tpu.memory_space<vmem_shared>>) target_semaphore(%run_scoped3A : memref<!tpu.dma_semaphore, #tpu.memory_space<semaphore_mem>>)
      %dma_wait3A = arith.constant 0 : i32
      %dma_wait3A_40 = tpu.memref_slice %arg9[%add3A_17, %dma_wait3A] : memref<10240x128xf32, #tpu.memory_space<vmem_shared>> -> memref<128x128xf32, #tpu.memory_space<vmem_shared>>
      %dma_wait3A_41 = arith.constant 0 : i32
      %dma_wait3A_42 = tpu.memref_slice %arg9[%add3A_17, %dma_wait3A_41] : memref<10240x128xf32, #tpu.memory_space<vmem_shared>> -> memref<128x128xf32, #tpu.memory_space<vmem_shared>>
      tpu.wait_dma2 semaphore(%run_scoped3A : memref<!tpu.dma_semaphore, #tpu.memory_space<semaphore_mem>>) src(%arg8 : memref<128x128xf32, #tpu.memory_space<vmem>>) dst(%dma_wait3A_42 : memref<128x128xf32, #tpu.memory_space<vmem_shared>>)
      tpu.yield
    }) : () -> ()
    %mul3A_18 = arith.constant 640 : i32
    %mul3A_19 = arith.muli %arg1, %mul3A_18 : i32
    %add3A_20 = arith.constant 384 : i32
    %add3A_21 = arith.addi %mul3A_19, %add3A_20 : i32
    "tpu.region"() ({
      %run_scoped3A = tpu.sem_alloc : memref<!tpu.dma_semaphore, #tpu.memory_space<semaphore_mem>>
      %dma_start3A = arith.constant 0 : i32
      %dma_start3A_37 = tpu.memref_slice %arg9[%add3A_21, %dma_start3A] : memref<10240x128xf32, #tpu.memory_space<vmem_shared>> -> memref<128x128xf32, #tpu.memory_space<vmem_shared>>
      %dma_start3A_38 = arith.constant 0 : i32
      %dma_start3A_39 = tpu.memref_slice %arg9[%add3A_21, %dma_start3A_38] : memref<10240x128xf32, #tpu.memory_space<vmem_shared>> -> memref<128x128xf32, #tpu.memory_space<vmem_shared>>
      tpu.enqueue_dma source(%arg8 : memref<128x128xf32, #tpu.memory_space<vmem>>) target(%dma_start3A_39 : memref<128x128xf32, #tpu.memory_space<vmem_shared>>) target_semaphore(%run_scoped3A : memref<!tpu.dma_semaphore, #tpu.memory_space<semaphore_mem>>)
      %dma_wait3A = arith.constant 0 : i32
      %dma_wait3A_40 = tpu.memref_slice %arg9[%add3A_21, %dma_wait3A] : memref<10240x128xf32, #tpu.memory_space<vmem_shared>> -> memref<128x128xf32, #tpu.memory_space<vmem_shared>>
      %dma_wait3A_41 = arith.constant 0 : i32
      %dma_wait3A_42 = tpu.memref_slice %arg9[%add3A_21, %dma_wait3A_41] : memref<10240x128xf32, #tpu.memory_space<vmem_shared>> -> memref<128x128xf32, #tpu.memory_space<vmem_shared>>
      tpu.wait_dma2 semaphore(%run_scoped3A : memref<!tpu.dma_semaphore, #tpu.memory_space<semaphore_mem>>) src(%arg8 : memref<128x128xf32, #tpu.memory_space<vmem>>) dst(%dma_wait3A_42 : memref<128x128xf32, #tpu.memory_space<vmem_shared>>)
      tpu.yield
    }) : () -> ()
    %mul3A_22 = arith.constant 640 : i32
    %mul3A_23 = arith.muli %arg1, %mul3A_22 : i32
    %add3A_24 = arith.constant 512 : i32
    %add3A_25 = arith.addi %mul3A_23, %add3A_24 : i32
    "tpu.region"() ({
      %run_scoped3A = tpu.sem_alloc : memref<!tpu.dma_semaphore, #tpu.memory_space<semaphore_mem>>
      %dma_start3A = arith.constant 0 : i32
      %dma_start3A_37 = tpu.memref_slice %arg9[%add3A_25, %dma_start3A] : memref<10240x128xf32, #tpu.memory_space<vmem_shared>> -> memref<128x128xf32, #tpu.memory_space<vmem_shared>>
      %dma_start3A_38 = arith.constant 0 : i32
      %dma_start3A_39 = tpu.memref_slice %arg9[%add3A_25, %dma_start3A_38] : memref<10240x128xf32, #tpu.memory_space<vmem_shared>> -> memref<128x128xf32, #tpu.memory_space<vmem_shared>>
      tpu.enqueue_dma source(%arg8 : memref<128x128xf32, #tpu.memory_space<vmem>>) target(%dma_start3A_39 : memref<128x128xf32, #tpu.memory_space<vmem_shared>>) target_semaphore(%run_scoped3A : memref<!tpu.dma_semaphore, #tpu.memory_space<semaphore_mem>>)
      %dma_wait3A = arith.constant 0 : i32
      %dma_wait3A_40 = tpu.memref_slice %arg9[%add3A_25, %dma_wait3A] : memref<10240x128xf32, #tpu.memory_space<vmem_shared>> -> memref<128x128xf32, #tpu.memory_space<vmem_shared>>
      %dma_wait3A_41 = arith.constant 0 : i32
      %dma_wait3A_42 = tpu.memref_slice %arg9[%add3A_25, %dma_wait3A_41] : memref<10240x128xf32, #tpu.memory_space<vmem_shared>> -> memref<128x128xf32, #tpu.memory_space<vmem_shared>>
      tpu.wait_dma2 semaphore(%run_scoped3A : memref<!tpu.dma_semaphore, #tpu.memory_space<semaphore_mem>>) src(%arg8 : memref<128x128xf32, #tpu.memory_space<vmem>>) dst(%dma_wait3A_42 : memref<128x128xf32, #tpu.memory_space<vmem_shared>>)
      tpu.yield
    }) : () -> ()
    "tpu.region"() ({
      %run_scoped3A = tpu.sem_alloc : memref<!tpu.dma_semaphore, #tpu.memory_space<semaphore_mem>>
      %dma_start3A = arith.constant 0 : i32
      %dma_start3A_37 = arith.constant 0 : i32
      %dma_start3A_38 = tpu.memref_slice %arg3[%add3A, %dma_start3A, %dma_start3A_37] : memref<32x79x128xi32, #tpu.memory_space<hbm>> -> memref<1x79x128xi32, #tpu.memory_space<hbm>>
      %dma_start3A_39 = tpu.memref_squeeze %dma_start3A_38 : memref<1x79x128xi32, #tpu.memory_space<hbm>> -> memref<79x128xi32, #tpu.memory_space<hbm>>
      %dma_start3A_40 = arith.constant 0 : i32
      %dma_start3A_41 = arith.constant 0 : i32
      %dma_start3A_42 = tpu.memref_slice %arg3[%add3A, %dma_start3A_40, %dma_start3A_41] : memref<32x79x128xi32, #tpu.memory_space<hbm>> -> memref<1x79x128xi32, #tpu.memory_space<hbm>>
      %dma_start3A_43 = tpu.memref_squeeze %dma_start3A_42 : memref<1x79x128xi32, #tpu.memory_space<hbm>> -> memref<79x128xi32, #tpu.memory_space<hbm>>
      tpu.enqueue_dma source(%dma_start3A_43 : memref<79x128xi32, #tpu.memory_space<hbm>>) target(%arg6 : memref<79x128xi32, #tpu.memory_space<vmem>>) target_semaphore(%run_scoped3A : memref<!tpu.dma_semaphore, #tpu.memory_space<semaphore_mem>>)
      %dma_wait3A = arith.constant 0 : i32
      %dma_wait3A_44 = arith.constant 0 : i32
      %dma_wait3A_45 = tpu.memref_slice %arg3[%add3A, %dma_wait3A, %dma_wait3A_44] : memref<32x79x128xi32, #tpu.memory_space<hbm>> -> memref<1x79x128xi32, #tpu.memory_space<hbm>>
      %dma_wait3A_46 = tpu.memref_squeeze %dma_wait3A_45 : memref<1x79x128xi32, #tpu.memory_space<hbm>> -> memref<79x128xi32, #tpu.memory_space<hbm>>
      %dma_wait3A_47 = arith.constant 0 : i32
      %dma_wait3A_48 = arith.constant 0 : i32
      %dma_wait3A_49 = tpu.memref_slice %arg3[%add3A, %dma_wait3A_47, %dma_wait3A_48] : memref<32x79x128xi32, #tpu.memory_space<hbm>> -> memref<1x79x128xi32, #tpu.memory_space<hbm>>
      %dma_wait3A_50 = tpu.memref_squeeze %dma_wait3A_49 : memref<1x79x128xi32, #tpu.memory_space<hbm>> -> memref<79x128xi32, #tpu.memory_space<hbm>>
      tpu.wait_dma2 semaphore(%run_scoped3A : memref<!tpu.dma_semaphore, #tpu.memory_space<semaphore_mem>>) src(%dma_wait3A_50 : memref<79x128xi32, #tpu.memory_space<hbm>>) dst(%arg6 : memref<79x128xi32, #tpu.memory_space<vmem>>)
      tpu.yield
    }) : () -> ()
    "tpu.region"() ({
      %run_scoped3A = tpu.sem_alloc : memref<!tpu.dma_semaphore, #tpu.memory_space<semaphore_mem>>
      %dma_start3A = arith.constant 0 : i32
      %dma_start3A_37 = arith.constant 0 : i32
      %dma_start3A_38 = tpu.memref_slice %arg4[%add3A, %dma_start3A, %dma_start3A_37] : memref<32x79x128xi32, #tpu.memory_space<hbm>> -> memref<1x79x128xi32, #tpu.memory_space<hbm>>
      %dma_start3A_39 = tpu.memref_squeeze %dma_start3A_38 : memref<1x79x128xi32, #tpu.memory_space<hbm>> -> memref<79x128xi32, #tpu.memory_space<hbm>>
      %dma_start3A_40 = arith.constant 0 : i32
      %dma_start3A_41 = arith.constant 0 : i32
      %dma_start3A_42 = tpu.memref_slice %arg4[%add3A, %dma_start3A_40, %dma_start3A_41] : memref<32x79x128xi32, #tpu.memory_space<hbm>> -> memref<1x79x128xi32, #tpu.memory_space<hbm>>
      %dma_start3A_43 = tpu.memref_squeeze %dma_start3A_42 : memref<1x79x128xi32, #tpu.memory_space<hbm>> -> memref<79x128xi32, #tpu.memory_space<hbm>>
      tpu.enqueue_dma source(%dma_start3A_43 : memref<79x128xi32, #tpu.memory_space<hbm>>) target(%arg7 : memref<79x128xi32, #tpu.memory_space<vmem>>) target_semaphore(%run_scoped3A : memref<!tpu.dma_semaphore, #tpu.memory_space<semaphore_mem>>)
      %dma_wait3A = arith.constant 0 : i32
      %dma_wait3A_44 = arith.constant 0 : i32
      %dma_wait3A_45 = tpu.memref_slice %arg4[%add3A, %dma_wait3A, %dma_wait3A_44] : memref<32x79x128xi32, #tpu.memory_space<hbm>> -> memref<1x79x128xi32, #tpu.memory_space<hbm>>
      %dma_wait3A_46 = tpu.memref_squeeze %dma_wait3A_45 : memref<1x79x128xi32, #tpu.memory_space<hbm>> -> memref<79x128xi32, #tpu.memory_space<hbm>>
      %dma_wait3A_47 = arith.constant 0 : i32
      %dma_wait3A_48 = arith.constant 0 : i32
      %dma_wait3A_49 = tpu.memref_slice %arg4[%add3A, %dma_wait3A_47, %dma_wait3A_48] : memref<32x79x128xi32, #tpu.memory_space<hbm>> -> memref<1x79x128xi32, #tpu.memory_space<hbm>>
      %dma_wait3A_50 = tpu.memref_squeeze %dma_wait3A_49 : memref<1x79x128xi32, #tpu.memory_space<hbm>> -> memref<79x128xi32, #tpu.memory_space<hbm>>
      tpu.wait_dma2 semaphore(%run_scoped3A : memref<!tpu.dma_semaphore, #tpu.memory_space<semaphore_mem>>) src(%dma_wait3A_50 : memref<79x128xi32, #tpu.memory_space<hbm>>) dst(%arg7 : memref<79x128xi32, #tpu.memory_space<vmem>>)
      tpu.yield
    }) : () -> ()
    %barrier3A = arith.constant 0 : index
    tpu.barrier barrier_id(%barrier3A)
    %scan3A_26 = arith.constant 0 : i32
    %scan3A_27 = arith.constant 0 : i32
    %scan3A_28 = arith.constant 79 : i32
    %scan3A_29 = arith.addi %scan3A_27, %scan3A_28 : i32
    %scan3A_30 = arith.constant 1 : i32
    scf.for %scan3A_37 = %scan3A_27 to %scan3A_29 step %scan3A_30  : i32 {
      %dma_start3A = arith.constant 0 : i32
      %dma_start3A_38 = tpu.memref_slice %arg6[%scan3A_37, %dma_start3A] : memref<79x128xi32, #tpu.memory_space<vmem>> -> memref<1x128xi32, #tpu.memory_space<vmem>>
      %dma_start3A_39 = tpu.memref_squeeze %dma_start3A_38 : memref<1x128xi32, #tpu.memory_space<vmem>> -> memref<128xi32, #tpu.memory_space<vmem>>
      %dma_start3A_40 = arith.constant 0 : i32
      %dma_start3A_41 = arith.constant 0 : i32
      %dma_start3A_42 = tpu.memref_slice %arg2[%dma_start3A_40, %dma_start3A_41] : memref<40000x128xf32, #tpu.memory_space<hbm>> -> memref<40000x128xf32, #tpu.memory_space<hbm>>
      tpu.enqueue_indirect_dma source(%dma_start3A_42 : memref<40000x128xf32, #tpu.memory_space<hbm>>) target(%arg8 : memref<128x128xf32, #tpu.memory_space<vmem>>) offsets(%dma_start3A_39 : memref<128xi32, #tpu.memory_space<vmem>>) semaphore(%arg10 : memref<!tpu.dma_semaphore, #tpu.memory_space<semaphore_mem>>)
      %dma_wait3A = arith.constant 0 : i32
      %dma_wait3A_43 = tpu.memref_slice %arg6[%scan3A_37, %dma_wait3A] : memref<79x128xi32, #tpu.memory_space<vmem>> -> memref<1x128xi32, #tpu.memory_space<vmem>>
      %dma_wait3A_44 = tpu.memref_squeeze %dma_wait3A_43 : memref<1x128xi32, #tpu.memory_space<vmem>> -> memref<128xi32, #tpu.memory_space<vmem>>
      %dma_wait3A_45 = arith.constant 0 : i32
      %dma_wait3A_46 = arith.constant 0 : i32
      %dma_wait3A_47 = tpu.memref_slice %arg2[%dma_wait3A_45, %dma_wait3A_46] : memref<40000x128xf32, #tpu.memory_space<hbm>> -> memref<40000x128xf32, #tpu.memory_space<hbm>>
      tpu.wait_indirect_dma semaphore(%arg10 : memref<!tpu.dma_semaphore, #tpu.memory_space<semaphore_mem>>) src(%dma_wait3A_47 : memref<40000x128xf32, #tpu.memory_space<hbm>>) dst(%arg8 : memref<128x128xf32, #tpu.memory_space<vmem>>)
      "tpu.region"() ({
        %run_scoped3A = tpu.sem_alloc : memref<!tpu.dma_semaphore, #tpu.memory_space<semaphore_mem>>
        %dma_start3A_48 = arith.constant 0 : i32
        %dma_start3A_49 = tpu.memref_slice %arg7[%scan3A_37, %dma_start3A_48] : memref<79x128xi32, #tpu.memory_space<vmem>> -> memref<1x128xi32, #tpu.memory_space<vmem>>
        %dma_start3A_50 = tpu.memref_squeeze %dma_start3A_49 : memref<1x128xi32, #tpu.memory_space<vmem>> -> memref<128xi32, #tpu.memory_space<vmem>>
        %dma_start3A_51 = arith.constant 0 : i32
        %dma_start3A_52 = arith.constant 0 : i32
        %dma_start3A_53 = tpu.memref_slice %arg9[%dma_start3A_51, %dma_start3A_52] : memref<10240x128xf32, #tpu.memory_space<vmem_shared>> -> memref<10240x128xf32, #tpu.memory_space<vmem_shared>>
        tpu.enqueue_indirect_dma source(%arg8 : memref<128x128xf32, #tpu.memory_space<vmem>>) target(%dma_start3A_53 : memref<10240x128xf32, #tpu.memory_space<vmem_shared>>) offsets(%dma_start3A_50 : memref<128xi32, #tpu.memory_space<vmem>>) semaphore(%run_scoped3A : memref<!tpu.dma_semaphore, #tpu.memory_space<semaphore_mem>>) {add = true}
        %dma_wait3A_54 = arith.constant 0 : i32
        %dma_wait3A_55 = tpu.memref_slice %arg7[%scan3A_37, %dma_wait3A_54] : memref<79x128xi32, #tpu.memory_space<vmem>> -> memref<1x128xi32, #tpu.memory_space<vmem>>
        %dma_wait3A_56 = tpu.memref_squeeze %dma_wait3A_55 : memref<1x128xi32, #tpu.memory_space<vmem>> -> memref<128xi32, #tpu.memory_space<vmem>>
        %dma_wait3A_57 = arith.constant 0 : i32
        %dma_wait3A_58 = arith.constant 0 : i32
        %dma_wait3A_59 = tpu.memref_slice %arg9[%dma_wait3A_57, %dma_wait3A_58] : memref<10240x128xf32, #tpu.memory_space<vmem_shared>> -> memref<10240x128xf32, #tpu.memory_space<vmem_shared>>
        tpu.wait_indirect_dma semaphore(%run_scoped3A : memref<!tpu.dma_semaphore, #tpu.memory_space<semaphore_mem>>) src(%arg8 : memref<128x128xf32, #tpu.memory_space<vmem>>) dst(%dma_wait3A_59 : memref<10240x128xf32, #tpu.memory_space<vmem_shared>>)
        tpu.yield
      }) : () -> ()
    }
    %scan3A_31 = arith.constant 79 : i32
    %barrier3A_32 = arith.constant 0 : index
    tpu.barrier barrier_id(%barrier3A_32)
    %mul3A_33 = arith.constant 640 : i32
    %mul3A_34 = arith.muli %arg1, %mul3A_33 : i32
    %mul3A_35 = arith.constant 640 : i32
    %mul3A_36 = arith.muli %arg1, %mul3A_35 : i32
    "tpu.region"() ({
      %run_scoped3A = tpu.sem_alloc : memref<!tpu.dma_semaphore, #tpu.memory_space<semaphore_mem>>
      %dma_start3A = arith.constant 0 : i32
      %dma_start3A_37 = tpu.memref_slice %arg5[%arg0, %mul3A_36, %dma_start3A] : memref<2x10240x128xf32, #tpu.memory_space<hbm>> -> memref<1x640x128xf32, #tpu.memory_space<hbm>>
      %dma_start3A_38 = tpu.memref_squeeze %dma_start3A_37 : memref<1x640x128xf32, #tpu.memory_space<hbm>> -> memref<640x128xf32, #tpu.memory_space<hbm>>
      %dma_start3A_39 = arith.constant 0 : i32
      %dma_start3A_40 = tpu.memref_slice %arg9[%mul3A_34, %dma_start3A_39] : memref<10240x128xf32, #tpu.memory_space<vmem_shared>> -> memref<640x128xf32, #tpu.memory_space<vmem_shared>>
      tpu.enqueue_dma source(%dma_start3A_40 : memref<640x128xf32, #tpu.memory_space<vmem_shared>>) target(%dma_start3A_38 : memref<640x128xf32, #tpu.memory_space<hbm>>) target_semaphore(%run_scoped3A : memref<!tpu.dma_semaphore, #tpu.memory_space<semaphore_mem>>)
      %dma_wait3A = arith.constant 0 : i32
      %dma_wait3A_41 = tpu.memref_slice %arg5[%arg0, %mul3A_36, %dma_wait3A] : memref<2x10240x128xf32, #tpu.memory_space<hbm>> -> memref<1x640x128xf32, #tpu.memory_space<hbm>>
      %dma_wait3A_42 = tpu.memref_squeeze %dma_wait3A_41 : memref<1x640x128xf32, #tpu.memory_space<hbm>> -> memref<640x128xf32, #tpu.memory_space<hbm>>
      %dma_wait3A_43 = arith.constant 0 : i32
      %dma_wait3A_44 = tpu.memref_slice %arg9[%mul3A_34, %dma_wait3A_43] : memref<10240x128xf32, #tpu.memory_space<vmem_shared>> -> memref<640x128xf32, #tpu.memory_space<vmem_shared>>
      tpu.wait_dma2 semaphore(%run_scoped3A : memref<!tpu.dma_semaphore, #tpu.memory_space<semaphore_mem>>) src(%dma_wait3A_44 : memref<640x128xf32, #tpu.memory_space<vmem_shared>>) dst(%dma_wait3A_42 : memref<640x128xf32, #tpu.memory_space<hbm>>)
      tpu.yield
    }) : () -> ()
    return
  }
}

#map = affine_map<(d0, d1) -> (0, 0)>
#map1 = affine_map<(d0, d1) -> (0, 0, 0)>
module attributes {stable_mosaic.version = 14 : i64} {
  func.func @_sc_edge_body(%arg0: i32, %arg1: i32, %arg2: memref<40000x128xf32, #tpu.memory_space<hbm>>, %arg3: memref<32x79x128xi32, #tpu.memory_space<hbm>>, %arg4: memref<32x79x128xi32, #tpu.memory_space<hbm>>, %arg5: memref<2x10240x128xf32, #tpu.memory_space<hbm>>, %arg6: memref<79x128xi32, #tpu.memory_space<vmem>>, %arg7: memref<79x128xi32, #tpu.memory_space<vmem>>, %arg8: memref<128x128xf32, #tpu.memory_space<vmem>>, %arg9: memref<10240x128xf32, #tpu.memory_space<vmem_shared>>, %arg10: memref<!tpu.dma_semaphore, #tpu.memory_space<semaphore_mem>>) attributes {dimension_semantics = [#tpu.dimension_semantics<core_parallel>, #tpu.dimension_semantics<subcore_parallel>], iteration_bounds = array<i64: 2, 16>, scalar_prefetch = 0 : i64, scratch_operands = 5 : i64, tpu.core_type = #tpu.core_type<sc_vector_subcore>, window_params = [{transform_indices = #map}, {transform_indices = #map1}, {transform_indices = #map1}, {transform_indices = #map1}]} {
    %mul3A = arith.constant 2 : i32
    %mul3A_0 = arith.muli %arg1, %mul3A : i32
    %add3A = arith.addi %mul3A_0, %arg0 : i32
    %scan3A = arith.constant 0 : i32
    %scan3A_1 = arith.constant 0 : i32
    %scan3A_2 = arith.constant 1024 : i32
    %scan3A_3 = arith.addi %scan3A_1, %scan3A_2 : i32
    %scan3A_4 = arith.constant 1 : i32
    scf.for %scan3A_37 = %scan3A_1 to %scan3A_3 step %scan3A_4  : i32 {
      %broadcast_in_dim3A = arith.constant 0.000000e+00 : f32
      %broadcast_in_dim3A_38 = vector.broadcast %broadcast_in_dim3A : f32 to vector<16xf32>
      %shift_right_arithmetic3A = arith.constant 3 : i32
      %shift_right_arithmetic3A_39 = arith.shrsi %scan3A_37, %shift_right_arithmetic3A : i32
      %and3A = arith.constant 7 : i32
      %and3A_40 = arith.andi %scan3A_37, %and3A : i32
      %mul3A_41 = arith.constant 16 : i32
      %mul3A_42 = arith.muli %and3A_40, %mul3A_41 : i32
      %swap3A = arith.index_cast %shift_right_arithmetic3A_39 : i32 to index
      %swap3A_43 = arith.index_cast %mul3A_42 : i32 to index
      %swap3A_44 = tpu.vector_load %arg8[%swap3A, %swap3A_43] {strides = array<i32>} : memref<128x128xf32, #tpu.memory_space<vmem>>, vector<1x16xf32>,
      %swap3A_45 = vector.shape_cast %swap3A_44 : vector<1x16xf32> to vector<16xf32>
      %swap3A_46 = vector.shape_cast %broadcast_in_dim3A_38 : vector<16xf32> to vector<1x16xf32>
      tpu.vector_store %arg8[%swap3A, %swap3A_43], %swap3A_46 {strides = array<i32>} : memref<128x128xf32, #tpu.memory_space<vmem>>, vector<1x16xf32>,
    }
    %scan3A_5 = arith.constant 1024 : i32
    %mul3A_6 = arith.constant 640 : i32
    %mul3A_7 = arith.muli %arg1, %mul3A_6 : i32
    %add3A_8 = arith.constant 0 : i32
    %add3A_9 = arith.addi %mul3A_7, %add3A_8 : i32
    "tpu.region"() ({
      %run_scoped3A = tpu.sem_alloc : memref<!tpu.dma_semaphore, #tpu.memory_space<semaphore_mem>>
      %dma_start3A = arith.constant 0 : i32
      %dma_start3A_37 = tpu.memref_slice %arg9[%add3A_9, %dma_start3A] : memref<10240x128xf32, #tpu.memory_space<vmem_shared>> -> memref<128x128xf32, #tpu.memory_space<vmem_shared>>
      %dma_start3A_38 = arith.constant 0 : i32
      %dma_start3A_39 = tpu.memref_slice %arg9[%add3A_9, %dma_start3A_38] : memref<10240x128xf32, #tpu.memory_space<vmem_shared>> -> memref<128x128xf32, #tpu.memory_space<vmem_shared>>
      tpu.enqueue_dma source(%arg8 : memref<128x128xf32, #tpu.memory_space<vmem>>) target(%dma_start3A_39 : memref<128x128xf32, #tpu.memory_space<vmem_shared>>) target_semaphore(%run_scoped3A : memref<!tpu.dma_semaphore, #tpu.memory_space<semaphore_mem>>)
      %dma_wait3A = arith.constant 0 : i32
      %dma_wait3A_40 = tpu.memref_slice %arg9[%add3A_9, %dma_wait3A] : memref<10240x128xf32, #tpu.memory_space<vmem_shared>> -> memref<128x128xf32, #tpu.memory_space<vmem_shared>>
      %dma_wait3A_41 = arith.constant 0 : i32
      %dma_wait3A_42 = tpu.memref_slice %arg9[%add3A_9, %dma_wait3A_41] : memref<10240x128xf32, #tpu.memory_space<vmem_shared>> -> memref<128x128xf32, #tpu.memory_space<vmem_shared>>
      tpu.wait_dma2 semaphore(%run_scoped3A : memref<!tpu.dma_semaphore, #tpu.memory_space<semaphore_mem>>) src(%arg8 : memref<128x128xf32, #tpu.memory_space<vmem>>) dst(%dma_wait3A_42 : memref<128x128xf32, #tpu.memory_space<vmem_shared>>)
      tpu.yield
    }) : () -> ()
    %mul3A_10 = arith.constant 640 : i32
    %mul3A_11 = arith.muli %arg1, %mul3A_10 : i32
    %add3A_12 = arith.constant 128 : i32
    %add3A_13 = arith.addi %mul3A_11, %add3A_12 : i32
    "tpu.region"() ({
      %run_scoped3A = tpu.sem_alloc : memref<!tpu.dma_semaphore, #tpu.memory_space<semaphore_mem>>
      %dma_start3A = arith.constant 0 : i32
      %dma_start3A_37 = tpu.memref_slice %arg9[%add3A_13, %dma_start3A] : memref<10240x128xf32, #tpu.memory_space<vmem_shared>> -> memref<128x128xf32, #tpu.memory_space<vmem_shared>>
      %dma_start3A_38 = arith.constant 0 : i32
      %dma_start3A_39 = tpu.memref_slice %arg9[%add3A_13, %dma_start3A_38] : memref<10240x128xf32, #tpu.memory_space<vmem_shared>> -> memref<128x128xf32, #tpu.memory_space<vmem_shared>>
      tpu.enqueue_dma source(%arg8 : memref<128x128xf32, #tpu.memory_space<vmem>>) target(%dma_start3A_39 : memref<128x128xf32, #tpu.memory_space<vmem_shared>>) target_semaphore(%run_scoped3A : memref<!tpu.dma_semaphore, #tpu.memory_space<semaphore_mem>>)
      %dma_wait3A = arith.constant 0 : i32
      %dma_wait3A_40 = tpu.memref_slice %arg9[%add3A_13, %dma_wait3A] : memref<10240x128xf32, #tpu.memory_space<vmem_shared>> -> memref<128x128xf32, #tpu.memory_space<vmem_shared>>
      %dma_wait3A_41 = arith.constant 0 : i32
      %dma_wait3A_42 = tpu.memref_slice %arg9[%add3A_13, %dma_wait3A_41] : memref<10240x128xf32, #tpu.memory_space<vmem_shared>> -> memref<128x128xf32, #tpu.memory_space<vmem_shared>>
      tpu.wait_dma2 semaphore(%run_scoped3A : memref<!tpu.dma_semaphore, #tpu.memory_space<semaphore_mem>>) src(%arg8 : memref<128x128xf32, #tpu.memory_space<vmem>>) dst(%dma_wait3A_42 : memref<128x128xf32, #tpu.memory_space<vmem_shared>>)
      tpu.yield
    }) : () -> ()
    %mul3A_14 = arith.constant 640 : i32
    %mul3A_15 = arith.muli %arg1, %mul3A_14 : i32
    %add3A_16 = arith.constant 256 : i32
    %add3A_17 = arith.addi %mul3A_15, %add3A_16 : i32
    "tpu.region"() ({
      %run_scoped3A = tpu.sem_alloc : memref<!tpu.dma_semaphore, #tpu.memory_space<semaphore_mem>>
      %dma_start3A = arith.constant 0 : i32
      %dma_start3A_37 = tpu.memref_slice %arg9[%add3A_17, %dma_start3A] : memref<10240x128xf32, #tpu.memory_space<vmem_shared>> -> memref<128x128xf32, #tpu.memory_space<vmem_shared>>
      %dma_start3A_38 = arith.constant 0 : i32
      %dma_start3A_39 = tpu.memref_slice %arg9[%add3A_17, %dma_start3A_38] : memref<10240x128xf32, #tpu.memory_space<vmem_shared>> -> memref<128x128xf32, #tpu.memory_space<vmem_shared>>
      tpu.enqueue_dma source(%arg8 : memref<128x128xf32, #tpu.memory_space<vmem>>) target(%dma_start3A_39 : memref<128x128xf32, #tpu.memory_space<vmem_shared>>) target_semaphore(%run_scoped3A : memref<!tpu.dma_semaphore, #tpu.memory_space<semaphore_mem>>)
      %dma_wait3A = arith.constant 0 : i32
      %dma_wait3A_40 = tpu.memref_slice %arg9[%add3A_17, %dma_wait3A] : memref<10240x128xf32, #tpu.memory_space<vmem_shared>> -> memref<128x128xf32, #tpu.memory_space<vmem_shared>>
      %dma_wait3A_41 = arith.constant 0 : i32
      %dma_wait3A_42 = tpu.memref_slice %arg9[%add3A_17, %dma_wait3A_41] : memref<10240x128xf32, #tpu.memory_space<vmem_shared>> -> memref<128x128xf32, #tpu.memory_space<vmem_shared>>
      tpu.wait_dma2 semaphore(%run_scoped3A : memref<!tpu.dma_semaphore, #tpu.memory_space<semaphore_mem>>) src(%arg8 : memref<128x128xf32, #tpu.memory_space<vmem>>) dst(%dma_wait3A_42 : memref<128x128xf32, #tpu.memory_space<vmem_shared>>)
      tpu.yield
    }) : () -> ()
    %mul3A_18 = arith.constant 640 : i32
    %mul3A_19 = arith.muli %arg1, %mul3A_18 : i32
    %add3A_20 = arith.constant 384 : i32
    %add3A_21 = arith.addi %mul3A_19, %add3A_20 : i32
    "tpu.region"() ({
      %run_scoped3A = tpu.sem_alloc : memref<!tpu.dma_semaphore, #tpu.memory_space<semaphore_mem>>
      %dma_start3A = arith.constant 0 : i32
      %dma_start3A_37 = tpu.memref_slice %arg9[%add3A_21, %dma_start3A] : memref<10240x128xf32, #tpu.memory_space<vmem_shared>> -> memref<128x128xf32, #tpu.memory_space<vmem_shared>>
      %dma_start3A_38 = arith.constant 0 : i32
      %dma_start3A_39 = tpu.memref_slice %arg9[%add3A_21, %dma_start3A_38] : memref<10240x128xf32, #tpu.memory_space<vmem_shared>> -> memref<128x128xf32, #tpu.memory_space<vmem_shared>>
      tpu.enqueue_dma source(%arg8 : memref<128x128xf32, #tpu.memory_space<vmem>>) target(%dma_start3A_39 : memref<128x128xf32, #tpu.memory_space<vmem_shared>>) target_semaphore(%run_scoped3A : memref<!tpu.dma_semaphore, #tpu.memory_space<semaphore_mem>>)
      %dma_wait3A = arith.constant 0 : i32
      %dma_wait3A_40 = tpu.memref_slice %arg9[%add3A_21, %dma_wait3A] : memref<10240x128xf32, #tpu.memory_space<vmem_shared>> -> memref<128x128xf32, #tpu.memory_space<vmem_shared>>
      %dma_wait3A_41 = arith.constant 0 : i32
      %dma_wait3A_42 = tpu.memref_slice %arg9[%add3A_21, %dma_wait3A_41] : memref<10240x128xf32, #tpu.memory_space<vmem_shared>> -> memref<128x128xf32, #tpu.memory_space<vmem_shared>>
      tpu.wait_dma2 semaphore(%run_scoped3A : memref<!tpu.dma_semaphore, #tpu.memory_space<semaphore_mem>>) src(%arg8 : memref<128x128xf32, #tpu.memory_space<vmem>>) dst(%dma_wait3A_42 : memref<128x128xf32, #tpu.memory_space<vmem_shared>>)
      tpu.yield
    }) : () -> ()
    %mul3A_22 = arith.constant 640 : i32
    %mul3A_23 = arith.muli %arg1, %mul3A_22 : i32
    %add3A_24 = arith.constant 512 : i32
    %add3A_25 = arith.addi %mul3A_23, %add3A_24 : i32
    "tpu.region"() ({
      %run_scoped3A = tpu.sem_alloc : memref<!tpu.dma_semaphore, #tpu.memory_space<semaphore_mem>>
      %dma_start3A = arith.constant 0 : i32
      %dma_start3A_37 = tpu.memref_slice %arg9[%add3A_25, %dma_start3A] : memref<10240x128xf32, #tpu.memory_space<vmem_shared>> -> memref<128x128xf32, #tpu.memory_space<vmem_shared>>
      %dma_start3A_38 = arith.constant 0 : i32
      %dma_start3A_39 = tpu.memref_slice %arg9[%add3A_25, %dma_start3A_38] : memref<10240x128xf32, #tpu.memory_space<vmem_shared>> -> memref<128x128xf32, #tpu.memory_space<vmem_shared>>
      tpu.enqueue_dma source(%arg8 : memref<128x128xf32, #tpu.memory_space<vmem>>) target(%dma_start3A_39 : memref<128x128xf32, #tpu.memory_space<vmem_shared>>) target_semaphore(%run_scoped3A : memref<!tpu.dma_semaphore, #tpu.memory_space<semaphore_mem>>)
      %dma_wait3A = arith.constant 0 : i32
      %dma_wait3A_40 = tpu.memref_slice %arg9[%add3A_25, %dma_wait3A] : memref<10240x128xf32, #tpu.memory_space<vmem_shared>> -> memref<128x128xf32, #tpu.memory_space<vmem_shared>>
      %dma_wait3A_41 = arith.constant 0 : i32
      %dma_wait3A_42 = tpu.memref_slice %arg9[%add3A_25, %dma_wait3A_41] : memref<10240x128xf32, #tpu.memory_space<vmem_shared>> -> memref<128x128xf32, #tpu.memory_space<vmem_shared>>
      tpu.wait_dma2 semaphore(%run_scoped3A : memref<!tpu.dma_semaphore, #tpu.memory_space<semaphore_mem>>) src(%arg8 : memref<128x128xf32, #tpu.memory_space<vmem>>) dst(%dma_wait3A_42 : memref<128x128xf32, #tpu.memory_space<vmem_shared>>)
      tpu.yield
    }) : () -> ()
    "tpu.region"() ({
      %run_scoped3A = tpu.sem_alloc : memref<!tpu.dma_semaphore, #tpu.memory_space<semaphore_mem>>
      %dma_start3A = arith.constant 0 : i32
      %dma_start3A_37 = arith.constant 0 : i32
      %dma_start3A_38 = tpu.memref_slice %arg3[%add3A, %dma_start3A, %dma_start3A_37] : memref<32x79x128xi32, #tpu.memory_space<hbm>> -> memref<1x79x128xi32, #tpu.memory_space<hbm>>
      %dma_start3A_39 = tpu.memref_squeeze %dma_start3A_38 : memref<1x79x128xi32, #tpu.memory_space<hbm>> -> memref<79x128xi32, #tpu.memory_space<hbm>>
      %dma_start3A_40 = arith.constant 0 : i32
      %dma_start3A_41 = arith.constant 0 : i32
      %dma_start3A_42 = tpu.memref_slice %arg3[%add3A, %dma_start3A_40, %dma_start3A_41] : memref<32x79x128xi32, #tpu.memory_space<hbm>> -> memref<1x79x128xi32, #tpu.memory_space<hbm>>
      %dma_start3A_43 = tpu.memref_squeeze %dma_start3A_42 : memref<1x79x128xi32, #tpu.memory_space<hbm>> -> memref<79x128xi32, #tpu.memory_space<hbm>>
      tpu.enqueue_dma source(%dma_start3A_43 : memref<79x128xi32, #tpu.memory_space<hbm>>) target(%arg6 : memref<79x128xi32, #tpu.memory_space<vmem>>) target_semaphore(%run_scoped3A : memref<!tpu.dma_semaphore, #tpu.memory_space<semaphore_mem>>)
      %dma_wait3A = arith.constant 0 : i32
      %dma_wait3A_44 = arith.constant 0 : i32
      %dma_wait3A_45 = tpu.memref_slice %arg3[%add3A, %dma_wait3A, %dma_wait3A_44] : memref<32x79x128xi32, #tpu.memory_space<hbm>> -> memref<1x79x128xi32, #tpu.memory_space<hbm>>
      %dma_wait3A_46 = tpu.memref_squeeze %dma_wait3A_45 : memref<1x79x128xi32, #tpu.memory_space<hbm>> -> memref<79x128xi32, #tpu.memory_space<hbm>>
      %dma_wait3A_47 = arith.constant 0 : i32
      %dma_wait3A_48 = arith.constant 0 : i32
      %dma_wait3A_49 = tpu.memref_slice %arg3[%add3A, %dma_wait3A_47, %dma_wait3A_48] : memref<32x79x128xi32, #tpu.memory_space<hbm>> -> memref<1x79x128xi32, #tpu.memory_space<hbm>>
      %dma_wait3A_50 = tpu.memref_squeeze %dma_wait3A_49 : memref<1x79x128xi32, #tpu.memory_space<hbm>> -> memref<79x128xi32, #tpu.memory_space<hbm>>
      tpu.wait_dma2 semaphore(%run_scoped3A : memref<!tpu.dma_semaphore, #tpu.memory_space<semaphore_mem>>) src(%dma_wait3A_50 : memref<79x128xi32, #tpu.memory_space<hbm>>) dst(%arg6 : memref<79x128xi32, #tpu.memory_space<vmem>>)
      tpu.yield
    }) : () -> ()
    "tpu.region"() ({
      %run_scoped3A = tpu.sem_alloc : memref<!tpu.dma_semaphore, #tpu.memory_space<semaphore_mem>>
      %dma_start3A = arith.constant 0 : i32
      %dma_start3A_37 = arith.constant 0 : i32
      %dma_start3A_38 = tpu.memref_slice %arg4[%add3A, %dma_start3A, %dma_start3A_37] : memref<32x79x128xi32, #tpu.memory_space<hbm>> -> memref<1x79x128xi32, #tpu.memory_space<hbm>>
      %dma_start3A_39 = tpu.memref_squeeze %dma_start3A_38 : memref<1x79x128xi32, #tpu.memory_space<hbm>> -> memref<79x128xi32, #tpu.memory_space<hbm>>
      %dma_start3A_40 = arith.constant 0 : i32
      %dma_start3A_41 = arith.constant 0 : i32
      %dma_start3A_42 = tpu.memref_slice %arg4[%add3A, %dma_start3A_40, %dma_start3A_41] : memref<32x79x128xi32, #tpu.memory_space<hbm>> -> memref<1x79x128xi32, #tpu.memory_space<hbm>>
      %dma_start3A_43 = tpu.memref_squeeze %dma_start3A_42 : memref<1x79x128xi32, #tpu.memory_space<hbm>> -> memref<79x128xi32, #tpu.memory_space<hbm>>
      tpu.enqueue_dma source(%dma_start3A_43 : memref<79x128xi32, #tpu.memory_space<hbm>>) target(%arg7 : memref<79x128xi32, #tpu.memory_space<vmem>>) target_semaphore(%run_scoped3A : memref<!tpu.dma_semaphore, #tpu.memory_space<semaphore_mem>>)
      %dma_wait3A = arith.constant 0 : i32
      %dma_wait3A_44 = arith.constant 0 : i32
      %dma_wait3A_45 = tpu.memref_slice %arg4[%add3A, %dma_wait3A, %dma_wait3A_44] : memref<32x79x128xi32, #tpu.memory_space<hbm>> -> memref<1x79x128xi32, #tpu.memory_space<hbm>>
      %dma_wait3A_46 = tpu.memref_squeeze %dma_wait3A_45 : memref<1x79x128xi32, #tpu.memory_space<hbm>> -> memref<79x128xi32, #tpu.memory_space<hbm>>
      %dma_wait3A_47 = arith.constant 0 : i32
      %dma_wait3A_48 = arith.constant 0 : i32
      %dma_wait3A_49 = tpu.memref_slice %arg4[%add3A, %dma_wait3A_47, %dma_wait3A_48] : memref<32x79x128xi32, #tpu.memory_space<hbm>> -> memref<1x79x128xi32, #tpu.memory_space<hbm>>
      %dma_wait3A_50 = tpu.memref_squeeze %dma_wait3A_49 : memref<1x79x128xi32, #tpu.memory_space<hbm>> -> memref<79x128xi32, #tpu.memory_space<hbm>>
      tpu.wait_dma2 semaphore(%run_scoped3A : memref<!tpu.dma_semaphore, #tpu.memory_space<semaphore_mem>>) src(%dma_wait3A_50 : memref<79x128xi32, #tpu.memory_space<hbm>>) dst(%arg7 : memref<79x128xi32, #tpu.memory_space<vmem>>)
      tpu.yield
    }) : () -> ()
    %barrier3A = arith.constant 0 : index
    tpu.barrier barrier_id(%barrier3A)
    %scan3A_26 = arith.constant 0 : i32
    %scan3A_27 = arith.constant 0 : i32
    %scan3A_28 = arith.constant 79 : i32
    %scan3A_29 = arith.addi %scan3A_27, %scan3A_28 : i32
    %scan3A_30 = arith.constant 1 : i32
    scf.for %scan3A_37 = %scan3A_27 to %scan3A_29 step %scan3A_30  : i32 {
      %dma_start3A = arith.constant 0 : i32
      %dma_start3A_38 = tpu.memref_slice %arg6[%scan3A_37, %dma_start3A] : memref<79x128xi32, #tpu.memory_space<vmem>> -> memref<1x128xi32, #tpu.memory_space<vmem>>
      %dma_start3A_39 = tpu.memref_squeeze %dma_start3A_38 : memref<1x128xi32, #tpu.memory_space<vmem>> -> memref<128xi32, #tpu.memory_space<vmem>>
      %dma_start3A_40 = arith.constant 0 : i32
      %dma_start3A_41 = arith.constant 0 : i32
      %dma_start3A_42 = tpu.memref_slice %arg2[%dma_start3A_40, %dma_start3A_41] : memref<40000x128xf32, #tpu.memory_space<hbm>> -> memref<40000x128xf32, #tpu.memory_space<hbm>>
      tpu.enqueue_indirect_dma source(%dma_start3A_42 : memref<40000x128xf32, #tpu.memory_space<hbm>>) target(%arg8 : memref<128x128xf32, #tpu.memory_space<vmem>>) offsets(%dma_start3A_39 : memref<128xi32, #tpu.memory_space<vmem>>) semaphore(%arg10 : memref<!tpu.dma_semaphore, #tpu.memory_space<semaphore_mem>>)
      %dma_wait3A = arith.constant 0 : i32
      %dma_wait3A_43 = tpu.memref_slice %arg6[%scan3A_37, %dma_wait3A] : memref<79x128xi32, #tpu.memory_space<vmem>> -> memref<1x128xi32, #tpu.memory_space<vmem>>
      %dma_wait3A_44 = tpu.memref_squeeze %dma_wait3A_43 : memref<1x128xi32, #tpu.memory_space<vmem>> -> memref<128xi32, #tpu.memory_space<vmem>>
      %dma_wait3A_45 = arith.constant 0 : i32
      %dma_wait3A_46 = arith.constant 0 : i32
      %dma_wait3A_47 = tpu.memref_slice %arg2[%dma_wait3A_45, %dma_wait3A_46] : memref<40000x128xf32, #tpu.memory_space<hbm>> -> memref<40000x128xf32, #tpu.memory_space<hbm>>
      tpu.wait_indirect_dma semaphore(%arg10 : memref<!tpu.dma_semaphore, #tpu.memory_space<semaphore_mem>>) src(%dma_wait3A_47 : memref<40000x128xf32, #tpu.memory_space<hbm>>) dst(%arg8 : memref<128x128xf32, #tpu.memory_space<vmem>>)
      "tpu.region"() ({
        %run_scoped3A = tpu.sem_alloc : memref<!tpu.dma_semaphore, #tpu.memory_space<semaphore_mem>>
        %dma_start3A_48 = arith.constant 0 : i32
        %dma_start3A_49 = tpu.memref_slice %arg7[%scan3A_37, %dma_start3A_48] : memref<79x128xi32, #tpu.memory_space<vmem>> -> memref<1x128xi32, #tpu.memory_space<vmem>>
        %dma_start3A_50 = tpu.memref_squeeze %dma_start3A_49 : memref<1x128xi32, #tpu.memory_space<vmem>> -> memref<128xi32, #tpu.memory_space<vmem>>
        %dma_start3A_51 = arith.constant 0 : i32
        %dma_start3A_52 = arith.constant 0 : i32
        %dma_start3A_53 = tpu.memref_slice %arg9[%dma_start3A_51, %dma_start3A_52] : memref<10240x128xf32, #tpu.memory_space<vmem_shared>> -> memref<10240x128xf32, #tpu.memory_space<vmem_shared>>
        tpu.enqueue_indirect_dma source(%arg8 : memref<128x128xf32, #tpu.memory_space<vmem>>) target(%dma_start3A_53 : memref<10240x128xf32, #tpu.memory_space<vmem_shared>>) offsets(%dma_start3A_50 : memref<128xi32, #tpu.memory_space<vmem>>) semaphore(%run_scoped3A : memref<!tpu.dma_semaphore, #tpu.memory_space<semaphore_mem>>) {add = true}
        %dma_wait3A_54 = arith.constant 0 : i32
        %dma_wait3A_55 = tpu.memref_slice %arg7[%scan3A_37, %dma_wait3A_54] : memref<79x128xi32, #tpu.memory_space<vmem>> -> memref<1x128xi32, #tpu.memory_space<vmem>>
        %dma_wait3A_56 = tpu.memref_squeeze %dma_wait3A_55 : memref<1x128xi32, #tpu.memory_space<vmem>> -> memref<128xi32, #tpu.memory_space<vmem>>
        %dma_wait3A_57 = arith.constant 0 : i32
        %dma_wait3A_58 = arith.constant 0 : i32
        %dma_wait3A_59 = tpu.memref_slice %arg9[%dma_wait3A_57, %dma_wait3A_58] : memref<10240x128xf32, #tpu.memory_space<vmem_shared>> -> memref<10240x128xf32, #tpu.memory_space<vmem_shared>>
        tpu.wait_indirect_dma semaphore(%run_scoped3A : memref<!tpu.dma_semaphore, #tpu.memory_space<semaphore_mem>>) src(%arg8 : memref<128x128xf32, #tpu.memory_space<vmem>>) dst(%dma_wait3A_59 : memref<10240x128xf32, #tpu.memory_space<vmem_shared>>)
        tpu.yield
      }) : () -> ()
    }
    %scan3A_31 = arith.constant 79 : i32
    %barrier3A_32 = arith.constant 0 : index
    tpu.barrier barrier_id(%barrier3A_32)
    %mul3A_33 = arith.constant 640 : i32
    %mul3A_34 = arith.muli %arg1, %mul3A_33 : i32
    %mul3A_35 = arith.constant 640 : i32
    %mul3A_36 = arith.muli %arg1, %mul3A_35 : i32
    "tpu.region"() ({
      %run_scoped3A = tpu.sem_alloc : memref<!tpu.dma_semaphore, #tpu.memory_space<semaphore_mem>>
      %dma_start3A = arith.constant 0 : i32
      %dma_start3A_37 = tpu.memref_slice %arg5[%arg0, %mul3A_36, %dma_start3A] : memref<2x10240x128xf32, #tpu.memory_space<hbm>> -> memref<1x640x128xf32, #tpu.memory_space<hbm>>
      %dma_start3A_38 = tpu.memref_squeeze %dma_start3A_37 : memref<1x640x128xf32, #tpu.memory_space<hbm>> -> memref<640x128xf32, #tpu.memory_space<hbm>>
      %dma_start3A_39 = arith.constant 0 : i32
      %dma_start3A_40 = tpu.memref_slice %arg9[%mul3A_34, %dma_start3A_39] : memref<10240x128xf32, #tpu.memory_space<vmem_shared>> -> memref<640x128xf32, #tpu.memory_space<vmem_shared>>
      tpu.enqueue_dma source(%dma_start3A_40 : memref<640x128xf32, #tpu.memory_space<vmem_shared>>) target(%dma_start3A_38 : memref<640x128xf32, #tpu.memory_space<hbm>>) target_semaphore(%run_scoped3A : memref<!tpu.dma_semaphore, #tpu.memory_space<semaphore_mem>>)
      %dma_wait3A = arith.constant 0 : i32
      %dma_wait3A_41 = tpu.memref_slice %arg5[%arg0, %mul3A_36, %dma_wait3A] : memref<2x10240x128xf32, #tpu.memory_space<hbm>> -> memref<1x640x128xf32, #tpu.memory_space<hbm>>
      %dma_wait3A_42 = tpu.memref_squeeze %dma_wait3A_41 : memref<1x640x128xf32, #tpu.memory_space<hbm>> -> memref<640x128xf32, #tpu.memory_space<hbm>>
      %dma_wait3A_43 = arith.constant 0 : i32
      %dma_wait3A_44 = tpu.memref_slice %arg9[%mul3A_34, %dma_wait3A_43] : memref<10240x128xf32, #tpu.memory_space<vmem_shared>> -> memref<640x128xf32, #tpu.memory_space<vmem_shared>>
      tpu.wait_dma2 semaphore(%run_scoped3A : memref<!tpu.dma_semaphore, #tpu.memory_space<semaphore_mem>>) src(%dma_wait3A_44 : memref<640x128xf32, #tpu.memory_space<vmem_shared>>) dst(%dma_wait3A_42 : memref<640x128xf32, #tpu.memory_space<hbm>>)
      tpu.yield
    }) : () -> ()
    return
  }
}

#map = affine_map<(d0, d1) -> (0, 0)>
#map1 = affine_map<(d0, d1) -> (0, 0, 0)>
module attributes {stable_mosaic.version = 14 : i64} {
  func.func @_sc_edge_body(%arg0: i32, %arg1: i32, %arg2: memref<40000x128xf32, #tpu.memory_space<hbm>>, %arg3: memref<32x79x128xi32, #tpu.memory_space<hbm>>, %arg4: memref<32x79x128xi32, #tpu.memory_space<hbm>>, %arg5: memref<2x10240x128xf32, #tpu.memory_space<hbm>>, %arg6: memref<79x128xi32, #tpu.memory_space<vmem>>, %arg7: memref<79x128xi32, #tpu.memory_space<vmem>>, %arg8: memref<128x128xf32, #tpu.memory_space<vmem>>, %arg9: memref<10240x128xf32, #tpu.memory_space<vmem_shared>>, %arg10: memref<!tpu.dma_semaphore, #tpu.memory_space<semaphore_mem>>) attributes {dimension_semantics = [#tpu.dimension_semantics<core_parallel>, #tpu.dimension_semantics<subcore_parallel>], iteration_bounds = array<i64: 2, 16>, scalar_prefetch = 0 : i64, scratch_operands = 5 : i64, tpu.core_type = #tpu.core_type<sc_vector_subcore>, window_params = [{transform_indices = #map}, {transform_indices = #map1}, {transform_indices = #map1}, {transform_indices = #map1}]} {
    %mul3A = arith.constant 2 : i32
    %mul3A_0 = arith.muli %arg1, %mul3A : i32
    %add3A = arith.addi %mul3A_0, %arg0 : i32
    %scan3A = arith.constant 0 : i32
    %scan3A_1 = arith.constant 0 : i32
    %scan3A_2 = arith.constant 1024 : i32
    %scan3A_3 = arith.addi %scan3A_1, %scan3A_2 : i32
    %scan3A_4 = arith.constant 1 : i32
    scf.for %scan3A_37 = %scan3A_1 to %scan3A_3 step %scan3A_4  : i32 {
      %broadcast_in_dim3A = arith.constant 0.000000e+00 : f32
      %broadcast_in_dim3A_38 = vector.broadcast %broadcast_in_dim3A : f32 to vector<16xf32>
      %shift_right_arithmetic3A = arith.constant 3 : i32
      %shift_right_arithmetic3A_39 = arith.shrsi %scan3A_37, %shift_right_arithmetic3A : i32
      %and3A = arith.constant 7 : i32
      %and3A_40 = arith.andi %scan3A_37, %and3A : i32
      %mul3A_41 = arith.constant 16 : i32
      %mul3A_42 = arith.muli %and3A_40, %mul3A_41 : i32
      %swap3A = arith.index_cast %shift_right_arithmetic3A_39 : i32 to index
      %swap3A_43 = arith.index_cast %mul3A_42 : i32 to index
      %swap3A_44 = tpu.vector_load %arg8[%swap3A, %swap3A_43] {strides = array<i32>} : memref<128x128xf32, #tpu.memory_space<vmem>>, vector<1x16xf32>,
      %swap3A_45 = vector.shape_cast %swap3A_44 : vector<1x16xf32> to vector<16xf32>
      %swap3A_46 = vector.shape_cast %broadcast_in_dim3A_38 : vector<16xf32> to vector<1x16xf32>
      tpu.vector_store %arg8[%swap3A, %swap3A_43], %swap3A_46 {strides = array<i32>} : memref<128x128xf32, #tpu.memory_space<vmem>>, vector<1x16xf32>,
    }
    %scan3A_5 = arith.constant 1024 : i32
    %mul3A_6 = arith.constant 640 : i32
    %mul3A_7 = arith.muli %arg1, %mul3A_6 : i32
    %add3A_8 = arith.constant 0 : i32
    %add3A_9 = arith.addi %mul3A_7, %add3A_8 : i32
    "tpu.region"() ({
      %run_scoped3A = tpu.sem_alloc : memref<!tpu.dma_semaphore, #tpu.memory_space<semaphore_mem>>
      %dma_start3A = arith.constant 0 : i32
      %dma_start3A_37 = tpu.memref_slice %arg9[%add3A_9, %dma_start3A] : memref<10240x128xf32, #tpu.memory_space<vmem_shared>> -> memref<128x128xf32, #tpu.memory_space<vmem_shared>>
      %dma_start3A_38 = arith.constant 0 : i32
      %dma_start3A_39 = tpu.memref_slice %arg9[%add3A_9, %dma_start3A_38] : memref<10240x128xf32, #tpu.memory_space<vmem_shared>> -> memref<128x128xf32, #tpu.memory_space<vmem_shared>>
      tpu.enqueue_dma source(%arg8 : memref<128x128xf32, #tpu.memory_space<vmem>>) target(%dma_start3A_39 : memref<128x128xf32, #tpu.memory_space<vmem_shared>>) target_semaphore(%run_scoped3A : memref<!tpu.dma_semaphore, #tpu.memory_space<semaphore_mem>>)
      %dma_wait3A = arith.constant 0 : i32
      %dma_wait3A_40 = tpu.memref_slice %arg9[%add3A_9, %dma_wait3A] : memref<10240x128xf32, #tpu.memory_space<vmem_shared>> -> memref<128x128xf32, #tpu.memory_space<vmem_shared>>
      %dma_wait3A_41 = arith.constant 0 : i32
      %dma_wait3A_42 = tpu.memref_slice %arg9[%add3A_9, %dma_wait3A_41] : memref<10240x128xf32, #tpu.memory_space<vmem_shared>> -> memref<128x128xf32, #tpu.memory_space<vmem_shared>>
      tpu.wait_dma2 semaphore(%run_scoped3A : memref<!tpu.dma_semaphore, #tpu.memory_space<semaphore_mem>>) src(%arg8 : memref<128x128xf32, #tpu.memory_space<vmem>>) dst(%dma_wait3A_42 : memref<128x128xf32, #tpu.memory_space<vmem_shared>>)
      tpu.yield
    }) : () -> ()
    %mul3A_10 = arith.constant 640 : i32
    %mul3A_11 = arith.muli %arg1, %mul3A_10 : i32
    %add3A_12 = arith.constant 128 : i32
    %add3A_13 = arith.addi %mul3A_11, %add3A_12 : i32
    "tpu.region"() ({
      %run_scoped3A = tpu.sem_alloc : memref<!tpu.dma_semaphore, #tpu.memory_space<semaphore_mem>>
      %dma_start3A = arith.constant 0 : i32
      %dma_start3A_37 = tpu.memref_slice %arg9[%add3A_13, %dma_start3A] : memref<10240x128xf32, #tpu.memory_space<vmem_shared>> -> memref<128x128xf32, #tpu.memory_space<vmem_shared>>
      %dma_start3A_38 = arith.constant 0 : i32
      %dma_start3A_39 = tpu.memref_slice %arg9[%add3A_13, %dma_start3A_38] : memref<10240x128xf32, #tpu.memory_space<vmem_shared>> -> memref<128x128xf32, #tpu.memory_space<vmem_shared>>
      tpu.enqueue_dma source(%arg8 : memref<128x128xf32, #tpu.memory_space<vmem>>) target(%dma_start3A_39 : memref<128x128xf32, #tpu.memory_space<vmem_shared>>) target_semaphore(%run_scoped3A : memref<!tpu.dma_semaphore, #tpu.memory_space<semaphore_mem>>)
      %dma_wait3A = arith.constant 0 : i32
      %dma_wait3A_40 = tpu.memref_slice %arg9[%add3A_13, %dma_wait3A] : memref<10240x128xf32, #tpu.memory_space<vmem_shared>> -> memref<128x128xf32, #tpu.memory_space<vmem_shared>>
      %dma_wait3A_41 = arith.constant 0 : i32
      %dma_wait3A_42 = tpu.memref_slice %arg9[%add3A_13, %dma_wait3A_41] : memref<10240x128xf32, #tpu.memory_space<vmem_shared>> -> memref<128x128xf32, #tpu.memory_space<vmem_shared>>
      tpu.wait_dma2 semaphore(%run_scoped3A : memref<!tpu.dma_semaphore, #tpu.memory_space<semaphore_mem>>) src(%arg8 : memref<128x128xf32, #tpu.memory_space<vmem>>) dst(%dma_wait3A_42 : memref<128x128xf32, #tpu.memory_space<vmem_shared>>)
      tpu.yield
    }) : () -> ()
    %mul3A_14 = arith.constant 640 : i32
    %mul3A_15 = arith.muli %arg1, %mul3A_14 : i32
    %add3A_16 = arith.constant 256 : i32
    %add3A_17 = arith.addi %mul3A_15, %add3A_16 : i32
    "tpu.region"() ({
      %run_scoped3A = tpu.sem_alloc : memref<!tpu.dma_semaphore, #tpu.memory_space<semaphore_mem>>
      %dma_start3A = arith.constant 0 : i32
      %dma_start3A_37 = tpu.memref_slice %arg9[%add3A_17, %dma_start3A] : memref<10240x128xf32, #tpu.memory_space<vmem_shared>> -> memref<128x128xf32, #tpu.memory_space<vmem_shared>>
      %dma_start3A_38 = arith.constant 0 : i32
      %dma_start3A_39 = tpu.memref_slice %arg9[%add3A_17, %dma_start3A_38] : memref<10240x128xf32, #tpu.memory_space<vmem_shared>> -> memref<128x128xf32, #tpu.memory_space<vmem_shared>>
      tpu.enqueue_dma source(%arg8 : memref<128x128xf32, #tpu.memory_space<vmem>>) target(%dma_start3A_39 : memref<128x128xf32, #tpu.memory_space<vmem_shared>>) target_semaphore(%run_scoped3A : memref<!tpu.dma_semaphore, #tpu.memory_space<semaphore_mem>>)
      %dma_wait3A = arith.constant 0 : i32
      %dma_wait3A_40 = tpu.memref_slice %arg9[%add3A_17, %dma_wait3A] : memref<10240x128xf32, #tpu.memory_space<vmem_shared>> -> memref<128x128xf32, #tpu.memory_space<vmem_shared>>
      %dma_wait3A_41 = arith.constant 0 : i32
      %dma_wait3A_42 = tpu.memref_slice %arg9[%add3A_17, %dma_wait3A_41] : memref<10240x128xf32, #tpu.memory_space<vmem_shared>> -> memref<128x128xf32, #tpu.memory_space<vmem_shared>>
      tpu.wait_dma2 semaphore(%run_scoped3A : memref<!tpu.dma_semaphore, #tpu.memory_space<semaphore_mem>>) src(%arg8 : memref<128x128xf32, #tpu.memory_space<vmem>>) dst(%dma_wait3A_42 : memref<128x128xf32, #tpu.memory_space<vmem_shared>>)
      tpu.yield
    }) : () -> ()
    %mul3A_18 = arith.constant 640 : i32
    %mul3A_19 = arith.muli %arg1, %mul3A_18 : i32
    %add3A_20 = arith.constant 384 : i32
    %add3A_21 = arith.addi %mul3A_19, %add3A_20 : i32
    "tpu.region"() ({
      %run_scoped3A = tpu.sem_alloc : memref<!tpu.dma_semaphore, #tpu.memory_space<semaphore_mem>>
      %dma_start3A = arith.constant 0 : i32
      %dma_start3A_37 = tpu.memref_slice %arg9[%add3A_21, %dma_start3A] : memref<10240x128xf32, #tpu.memory_space<vmem_shared>> -> memref<128x128xf32, #tpu.memory_space<vmem_shared>>
      %dma_start3A_38 = arith.constant 0 : i32
      %dma_start3A_39 = tpu.memref_slice %arg9[%add3A_21, %dma_start3A_38] : memref<10240x128xf32, #tpu.memory_space<vmem_shared>> -> memref<128x128xf32, #tpu.memory_space<vmem_shared>>
      tpu.enqueue_dma source(%arg8 : memref<128x128xf32, #tpu.memory_space<vmem>>) target(%dma_start3A_39 : memref<128x128xf32, #tpu.memory_space<vmem_shared>>) target_semaphore(%run_scoped3A : memref<!tpu.dma_semaphore, #tpu.memory_space<semaphore_mem>>)
      %dma_wait3A = arith.constant 0 : i32
      %dma_wait3A_40 = tpu.memref_slice %arg9[%add3A_21, %dma_wait3A] : memref<10240x128xf32, #tpu.memory_space<vmem_shared>> -> memref<128x128xf32, #tpu.memory_space<vmem_shared>>
      %dma_wait3A_41 = arith.constant 0 : i32
      %dma_wait3A_42 = tpu.memref_slice %arg9[%add3A_21, %dma_wait3A_41] : memref<10240x128xf32, #tpu.memory_space<vmem_shared>> -> memref<128x128xf32, #tpu.memory_space<vmem_shared>>
      tpu.wait_dma2 semaphore(%run_scoped3A : memref<!tpu.dma_semaphore, #tpu.memory_space<semaphore_mem>>) src(%arg8 : memref<128x128xf32, #tpu.memory_space<vmem>>) dst(%dma_wait3A_42 : memref<128x128xf32, #tpu.memory_space<vmem_shared>>)
      tpu.yield
    }) : () -> ()
    %mul3A_22 = arith.constant 640 : i32
    %mul3A_23 = arith.muli %arg1, %mul3A_22 : i32
    %add3A_24 = arith.constant 512 : i32
    %add3A_25 = arith.addi %mul3A_23, %add3A_24 : i32
    "tpu.region"() ({
      %run_scoped3A = tpu.sem_alloc : memref<!tpu.dma_semaphore, #tpu.memory_space<semaphore_mem>>
      %dma_start3A = arith.constant 0 : i32
      %dma_start3A_37 = tpu.memref_slice %arg9[%add3A_25, %dma_start3A] : memref<10240x128xf32, #tpu.memory_space<vmem_shared>> -> memref<128x128xf32, #tpu.memory_space<vmem_shared>>
      %dma_start3A_38 = arith.constant 0 : i32
      %dma_start3A_39 = tpu.memref_slice %arg9[%add3A_25, %dma_start3A_38] : memref<10240x128xf32, #tpu.memory_space<vmem_shared>> -> memref<128x128xf32, #tpu.memory_space<vmem_shared>>
      tpu.enqueue_dma source(%arg8 : memref<128x128xf32, #tpu.memory_space<vmem>>) target(%dma_start3A_39 : memref<128x128xf32, #tpu.memory_space<vmem_shared>>) target_semaphore(%run_scoped3A : memref<!tpu.dma_semaphore, #tpu.memory_space<semaphore_mem>>)
      %dma_wait3A = arith.constant 0 : i32
      %dma_wait3A_40 = tpu.memref_slice %arg9[%add3A_25, %dma_wait3A] : memref<10240x128xf32, #tpu.memory_space<vmem_shared>> -> memref<128x128xf32, #tpu.memory_space<vmem_shared>>
      %dma_wait3A_41 = arith.constant 0 : i32
      %dma_wait3A_42 = tpu.memref_slice %arg9[%add3A_25, %dma_wait3A_41] : memref<10240x128xf32, #tpu.memory_space<vmem_shared>> -> memref<128x128xf32, #tpu.memory_space<vmem_shared>>
      tpu.wait_dma2 semaphore(%run_scoped3A : memref<!tpu.dma_semaphore, #tpu.memory_space<semaphore_mem>>) src(%arg8 : memref<128x128xf32, #tpu.memory_space<vmem>>) dst(%dma_wait3A_42 : memref<128x128xf32, #tpu.memory_space<vmem_shared>>)
      tpu.yield
    }) : () -> ()
    "tpu.region"() ({
      %run_scoped3A = tpu.sem_alloc : memref<!tpu.dma_semaphore, #tpu.memory_space<semaphore_mem>>
      %dma_start3A = arith.constant 0 : i32
      %dma_start3A_37 = arith.constant 0 : i32
      %dma_start3A_38 = tpu.memref_slice %arg3[%add3A, %dma_start3A, %dma_start3A_37] : memref<32x79x128xi32, #tpu.memory_space<hbm>> -> memref<1x79x128xi32, #tpu.memory_space<hbm>>
      %dma_start3A_39 = tpu.memref_squeeze %dma_start3A_38 : memref<1x79x128xi32, #tpu.memory_space<hbm>> -> memref<79x128xi32, #tpu.memory_space<hbm>>
      %dma_start3A_40 = arith.constant 0 : i32
      %dma_start3A_41 = arith.constant 0 : i32
      %dma_start3A_42 = tpu.memref_slice %arg3[%add3A, %dma_start3A_40, %dma_start3A_41] : memref<32x79x128xi32, #tpu.memory_space<hbm>> -> memref<1x79x128xi32, #tpu.memory_space<hbm>>
      %dma_start3A_43 = tpu.memref_squeeze %dma_start3A_42 : memref<1x79x128xi32, #tpu.memory_space<hbm>> -> memref<79x128xi32, #tpu.memory_space<hbm>>
      tpu.enqueue_dma source(%dma_start3A_43 : memref<79x128xi32, #tpu.memory_space<hbm>>) target(%arg6 : memref<79x128xi32, #tpu.memory_space<vmem>>) target_semaphore(%run_scoped3A : memref<!tpu.dma_semaphore, #tpu.memory_space<semaphore_mem>>)
      %dma_wait3A = arith.constant 0 : i32
      %dma_wait3A_44 = arith.constant 0 : i32
      %dma_wait3A_45 = tpu.memref_slice %arg3[%add3A, %dma_wait3A, %dma_wait3A_44] : memref<32x79x128xi32, #tpu.memory_space<hbm>> -> memref<1x79x128xi32, #tpu.memory_space<hbm>>
      %dma_wait3A_46 = tpu.memref_squeeze %dma_wait3A_45 : memref<1x79x128xi32, #tpu.memory_space<hbm>> -> memref<79x128xi32, #tpu.memory_space<hbm>>
      %dma_wait3A_47 = arith.constant 0 : i32
      %dma_wait3A_48 = arith.constant 0 : i32
      %dma_wait3A_49 = tpu.memref_slice %arg3[%add3A, %dma_wait3A_47, %dma_wait3A_48] : memref<32x79x128xi32, #tpu.memory_space<hbm>> -> memref<1x79x128xi32, #tpu.memory_space<hbm>>
      %dma_wait3A_50 = tpu.memref_squeeze %dma_wait3A_49 : memref<1x79x128xi32, #tpu.memory_space<hbm>> -> memref<79x128xi32, #tpu.memory_space<hbm>>
      tpu.wait_dma2 semaphore(%run_scoped3A : memref<!tpu.dma_semaphore, #tpu.memory_space<semaphore_mem>>) src(%dma_wait3A_50 : memref<79x128xi32, #tpu.memory_space<hbm>>) dst(%arg6 : memref<79x128xi32, #tpu.memory_space<vmem>>)
      tpu.yield
    }) : () -> ()
    "tpu.region"() ({
      %run_scoped3A = tpu.sem_alloc : memref<!tpu.dma_semaphore, #tpu.memory_space<semaphore_mem>>
      %dma_start3A = arith.constant 0 : i32
      %dma_start3A_37 = arith.constant 0 : i32
      %dma_start3A_38 = tpu.memref_slice %arg4[%add3A, %dma_start3A, %dma_start3A_37] : memref<32x79x128xi32, #tpu.memory_space<hbm>> -> memref<1x79x128xi32, #tpu.memory_space<hbm>>
      %dma_start3A_39 = tpu.memref_squeeze %dma_start3A_38 : memref<1x79x128xi32, #tpu.memory_space<hbm>> -> memref<79x128xi32, #tpu.memory_space<hbm>>
      %dma_start3A_40 = arith.constant 0 : i32
      %dma_start3A_41 = arith.constant 0 : i32
      %dma_start3A_42 = tpu.memref_slice %arg4[%add3A, %dma_start3A_40, %dma_start3A_41] : memref<32x79x128xi32, #tpu.memory_space<hbm>> -> memref<1x79x128xi32, #tpu.memory_space<hbm>>
      %dma_start3A_43 = tpu.memref_squeeze %dma_start3A_42 : memref<1x79x128xi32, #tpu.memory_space<hbm>> -> memref<79x128xi32, #tpu.memory_space<hbm>>
      tpu.enqueue_dma source(%dma_start3A_43 : memref<79x128xi32, #tpu.memory_space<hbm>>) target(%arg7 : memref<79x128xi32, #tpu.memory_space<vmem>>) target_semaphore(%run_scoped3A : memref<!tpu.dma_semaphore, #tpu.memory_space<semaphore_mem>>)
      %dma_wait3A = arith.constant 0 : i32
      %dma_wait3A_44 = arith.constant 0 : i32
      %dma_wait3A_45 = tpu.memref_slice %arg4[%add3A, %dma_wait3A, %dma_wait3A_44] : memref<32x79x128xi32, #tpu.memory_space<hbm>> -> memref<1x79x128xi32, #tpu.memory_space<hbm>>
      %dma_wait3A_46 = tpu.memref_squeeze %dma_wait3A_45 : memref<1x79x128xi32, #tpu.memory_space<hbm>> -> memref<79x128xi32, #tpu.memory_space<hbm>>
      %dma_wait3A_47 = arith.constant 0 : i32
      %dma_wait3A_48 = arith.constant 0 : i32
      %dma_wait3A_49 = tpu.memref_slice %arg4[%add3A, %dma_wait3A_47, %dma_wait3A_48] : memref<32x79x128xi32, #tpu.memory_space<hbm>> -> memref<1x79x128xi32, #tpu.memory_space<hbm>>
      %dma_wait3A_50 = tpu.memref_squeeze %dma_wait3A_49 : memref<1x79x128xi32, #tpu.memory_space<hbm>> -> memref<79x128xi32, #tpu.memory_space<hbm>>
      tpu.wait_dma2 semaphore(%run_scoped3A : memref<!tpu.dma_semaphore, #tpu.memory_space<semaphore_mem>>) src(%dma_wait3A_50 : memref<79x128xi32, #tpu.memory_space<hbm>>) dst(%arg7 : memref<79x128xi32, #tpu.memory_space<vmem>>)
      tpu.yield
    }) : () -> ()
    %barrier3A = arith.constant 0 : index
    tpu.barrier barrier_id(%barrier3A)
    %scan3A_26 = arith.constant 0 : i32
    %scan3A_27 = arith.constant 0 : i32
    %scan3A_28 = arith.constant 79 : i32
    %scan3A_29 = arith.addi %scan3A_27, %scan3A_28 : i32
    %scan3A_30 = arith.constant 1 : i32
    scf.for %scan3A_37 = %scan3A_27 to %scan3A_29 step %scan3A_30  : i32 {
      %dma_start3A = arith.constant 0 : i32
      %dma_start3A_38 = tpu.memref_slice %arg6[%scan3A_37, %dma_start3A] : memref<79x128xi32, #tpu.memory_space<vmem>> -> memref<1x128xi32, #tpu.memory_space<vmem>>
      %dma_start3A_39 = tpu.memref_squeeze %dma_start3A_38 : memref<1x128xi32, #tpu.memory_space<vmem>> -> memref<128xi32, #tpu.memory_space<vmem>>
      %dma_start3A_40 = arith.constant 0 : i32
      %dma_start3A_41 = arith.constant 0 : i32
      %dma_start3A_42 = tpu.memref_slice %arg2[%dma_start3A_40, %dma_start3A_41] : memref<40000x128xf32, #tpu.memory_space<hbm>> -> memref<40000x128xf32, #tpu.memory_space<hbm>>
      tpu.enqueue_indirect_dma source(%dma_start3A_42 : memref<40000x128xf32, #tpu.memory_space<hbm>>) target(%arg8 : memref<128x128xf32, #tpu.memory_space<vmem>>) offsets(%dma_start3A_39 : memref<128xi32, #tpu.memory_space<vmem>>) semaphore(%arg10 : memref<!tpu.dma_semaphore, #tpu.memory_space<semaphore_mem>>)
      %dma_wait3A = arith.constant 0 : i32
      %dma_wait3A_43 = tpu.memref_slice %arg6[%scan3A_37, %dma_wait3A] : memref<79x128xi32, #tpu.memory_space<vmem>> -> memref<1x128xi32, #tpu.memory_space<vmem>>
      %dma_wait3A_44 = tpu.memref_squeeze %dma_wait3A_43 : memref<1x128xi32, #tpu.memory_space<vmem>> -> memref<128xi32, #tpu.memory_space<vmem>>
      %dma_wait3A_45 = arith.constant 0 : i32
      %dma_wait3A_46 = arith.constant 0 : i32
      %dma_wait3A_47 = tpu.memref_slice %arg2[%dma_wait3A_45, %dma_wait3A_46] : memref<40000x128xf32, #tpu.memory_space<hbm>> -> memref<40000x128xf32, #tpu.memory_space<hbm>>
      tpu.wait_indirect_dma semaphore(%arg10 : memref<!tpu.dma_semaphore, #tpu.memory_space<semaphore_mem>>) src(%dma_wait3A_47 : memref<40000x128xf32, #tpu.memory_space<hbm>>) dst(%arg8 : memref<128x128xf32, #tpu.memory_space<vmem>>)
      "tpu.region"() ({
        %run_scoped3A = tpu.sem_alloc : memref<!tpu.dma_semaphore, #tpu.memory_space<semaphore_mem>>
        %dma_start3A_48 = arith.constant 0 : i32
        %dma_start3A_49 = tpu.memref_slice %arg7[%scan3A_37, %dma_start3A_48] : memref<79x128xi32, #tpu.memory_space<vmem>> -> memref<1x128xi32, #tpu.memory_space<vmem>>
        %dma_start3A_50 = tpu.memref_squeeze %dma_start3A_49 : memref<1x128xi32, #tpu.memory_space<vmem>> -> memref<128xi32, #tpu.memory_space<vmem>>
        %dma_start3A_51 = arith.constant 0 : i32
        %dma_start3A_52 = arith.constant 0 : i32
        %dma_start3A_53 = tpu.memref_slice %arg9[%dma_start3A_51, %dma_start3A_52] : memref<10240x128xf32, #tpu.memory_space<vmem_shared>> -> memref<10240x128xf32, #tpu.memory_space<vmem_shared>>
        tpu.enqueue_indirect_dma source(%arg8 : memref<128x128xf32, #tpu.memory_space<vmem>>) target(%dma_start3A_53 : memref<10240x128xf32, #tpu.memory_space<vmem_shared>>) offsets(%dma_start3A_50 : memref<128xi32, #tpu.memory_space<vmem>>) semaphore(%run_scoped3A : memref<!tpu.dma_semaphore, #tpu.memory_space<semaphore_mem>>) {add = true}
        %dma_wait3A_54 = arith.constant 0 : i32
        %dma_wait3A_55 = tpu.memref_slice %arg7[%scan3A_37, %dma_wait3A_54] : memref<79x128xi32, #tpu.memory_space<vmem>> -> memref<1x128xi32, #tpu.memory_space<vmem>>
        %dma_wait3A_56 = tpu.memref_squeeze %dma_wait3A_55 : memref<1x128xi32, #tpu.memory_space<vmem>> -> memref<128xi32, #tpu.memory_space<vmem>>
        %dma_wait3A_57 = arith.constant 0 : i32
        %dma_wait3A_58 = arith.constant 0 : i32
        %dma_wait3A_59 = tpu.memref_slice %arg9[%dma_wait3A_57, %dma_wait3A_58] : memref<10240x128xf32, #tpu.memory_space<vmem_shared>> -> memref<10240x128xf32, #tpu.memory_space<vmem_shared>>
        tpu.wait_indirect_dma semaphore(%run_scoped3A : memref<!tpu.dma_semaphore, #tpu.memory_space<semaphore_mem>>) src(%arg8 : memref<128x128xf32, #tpu.memory_space<vmem>>) dst(%dma_wait3A_59 : memref<10240x128xf32, #tpu.memory_space<vmem_shared>>)
        tpu.yield
      }) : () -> ()
    }
    %scan3A_31 = arith.constant 79 : i32
    %barrier3A_32 = arith.constant 0 : index
    tpu.barrier barrier_id(%barrier3A_32)
    %mul3A_33 = arith.constant 640 : i32
    %mul3A_34 = arith.muli %arg1, %mul3A_33 : i32
    %mul3A_35 = arith.constant 640 : i32
    %mul3A_36 = arith.muli %arg1, %mul3A_35 : i32
    "tpu.region"() ({
      %run_scoped3A = tpu.sem_alloc : memref<!tpu.dma_semaphore, #tpu.memory_space<semaphore_mem>>
      %dma_start3A = arith.constant 0 : i32
      %dma_start3A_37 = tpu.memref_slice %arg5[%arg0, %mul3A_36, %dma_start3A] : memref<2x10240x128xf32, #tpu.memory_space<hbm>> -> memref<1x640x128xf32, #tpu.memory_space<hbm>>
      %dma_start3A_38 = tpu.memref_squeeze %dma_start3A_37 : memref<1x640x128xf32, #tpu.memory_space<hbm>> -> memref<640x128xf32, #tpu.memory_space<hbm>>
      %dma_start3A_39 = arith.constant 0 : i32
      %dma_start3A_40 = tpu.memref_slice %arg9[%mul3A_34, %dma_start3A_39] : memref<10240x128xf32, #tpu.memory_space<vmem_shared>> -> memref<640x128xf32, #tpu.memory_space<vmem_shared>>
      tpu.enqueue_dma source(%dma_start3A_40 : memref<640x128xf32, #tpu.memory_space<vmem_shared>>) target(%dma_start3A_38 : memref<640x128xf32, #tpu.memory_space<hbm>>) target_semaphore(%run_scoped3A : memref<!tpu.dma_semaphore, #tpu.memory_space<semaphore_mem>>)
      %dma_wait3A = arith.constant 0 : i32
      %dma_wait3A_41 = tpu.memref_slice %arg5[%arg0, %mul3A_36, %dma_wait3A] : memref<2x10240x128xf32, #tpu.memory_space<hbm>> -> memref<1x640x128xf32, #tpu.memory_space<hbm>>
      %dma_wait3A_42 = tpu.memref_squeeze %dma_wait3A_41 : memref<1x640x128xf32, #tpu.memory_space<hbm>> -> memref<640x128xf32, #tpu.memory_space<hbm>>
      %dma_wait3A_43 = arith.constant 0 : i32
      %dma_wait3A_44 = tpu.memref_slice %arg9[%mul3A_34, %dma_wait3A_43] : memref<10240x128xf32, #tpu.memory_space<vmem_shared>> -> memref<640x128xf32, #tpu.memory_space<vmem_shared>>
      tpu.wait_dma2 semaphore(%run_scoped3A : memref<!tpu.dma_semaphore, #tpu.memory_space<semaphore_mem>>) src(%dma_wait3A_44 : memref<640x128xf32, #tpu.memory_space<vmem_shared>>) dst(%dma_wait3A_42 : memref<640x128xf32, #tpu.memory_space<hbm>>)
      tpu.yield
    }) : () -> ()
    return
  }
}

module attributes {stable_mosaic.version = 14 : i64} {
  func.func @_gidx_body(%arg0: memref<2528x128xi32, #tpu.memory_space<vmem>>, %arg1: memref<2528x128xi32, #tpu.memory_space<vmem>>, %arg2: memref<2528x128xi32, #tpu.memory_space<vmem>>) attributes {dimension_semantics = [], scalar_prefetch = 0 : i64, scratch_operands = 0 : i64, tpu.core_type = #tpu.core_type<tc>} {
    %get3A = arith.constant 0 : index
    %get3A_0 = arith.constant 0 : index
    %get3A_1 = vector.load %arg1[%get3A, %get3A_0] : memref<2528x128xi32, #tpu.memory_space<vmem>>, vector<2528x128xi32>
    %mul3A = arith.constant 10000 : i32
    %mul3A_2 = vector.broadcast %mul3A : i32 to vector<2528x128xi32>
    %mul3A_3 = arith.muli %get3A_1, %mul3A_2 : vector<2528x128xi32>
    %get3A_4 = arith.constant 0 : index
    %get3A_5 = arith.constant 0 : index
    %get3A_6 = vector.load %arg0[%get3A_4, %get3A_5] : memref<2528x128xi32, #tpu.memory_space<vmem>>, vector<2528x128xi32>
    %add3A = arith.addi %mul3A_3, %get3A_6 : vector<2528x128xi32>
    %swap3A = arith.constant 0 : index
    %swap3A_7 = arith.constant 0 : index
    %swap3A_8 = vector.load %arg2[%swap3A, %swap3A_7] : memref<2528x128xi32, #tpu.memory_space<vmem>>, vector<2528x128xi32>
    tpu.vector_store %arg2[%swap3A, %swap3A_7], %add3A {strides = array<i32>} : memref<2528x128xi32, #tpu.memory_space<vmem>>, vector<2528x128xi32>,
    return
  }
}

module attributes {stable_mosaic.version = 14 : i64} {
  func.func @_prep_body(%arg0: i32, %arg1: memref<1000x128xf32, #tpu.memory_space<vmem>>, %arg2: memref<1000x1xf32, #tpu.memory_space<vmem>>, %arg3: memref<2x128xf32, #tpu.memory_space<vmem>>, %arg4: memref<1x128xf32, #tpu.memory_space<vmem>>, %arg5: memref<1000x128xf32, #tpu.memory_space<vmem>>) attributes {dimension_semantics = [#tpu.dimension_semantics<arbitrary>], iteration_bounds = array<i64: 10>, scalar_prefetch = 0 : i64, scratch_operands = 0 : i64, tpu.core_type = #tpu.core_type<tc>, window_params = [{transform_indices = @transform_0, window_bounds = array<i64: 1000, 128>}, {transform_indices = @transform_1, window_bounds = array<i64: 1000, 1>}, {pipeline_mode = #tpu.pipeline_mode<synchronous>, transform_indices = @transform_2, window_bounds = array<i64: 2, 128>}, {pipeline_mode = #tpu.pipeline_mode<synchronous>, transform_indices = @transform_3, window_bounds = array<i64: 1, 128>}, {transform_indices = @transform_4, window_bounds = array<i64: 1000, 128>}]} {
    %get3A = arith.constant 0 : index
    %get3A_0 = arith.constant 0 : index
    %get3A_1 = vector.load %arg1[%get3A, %get3A_0] : memref<1000x128xf32, #tpu.memory_space<vmem>>, vector<1000x128xf32>
    %get3A_2 = arith.constant 0 : index
    %get3A_3 = arith.constant 0 : index
    %get3A_4 = vector.load %arg2[%get3A_2, %get3A_3] : memref<1000x1xf32, #tpu.memory_space<vmem>>, vector<1000x1xf32>
    %get3A_5 = arith.constant 1 : index
    %get3A_6 = arith.constant 0 : index
    %get3A_7 = vector.load %arg3[%get3A_5, %get3A_6] : memref<2x128xf32, #tpu.memory_space<vmem>>, vector<1x128xf32>
    %mul3A = vector.broadcast %get3A_4 : vector<1000x1xf32> to vector<1000x128xf32>
    %mul3A_8 = vector.broadcast %get3A_7 : vector<1x128xf32> to vector<1000x128xf32>
    %mul3A_9 = arith.mulf %mul3A, %mul3A_8 : vector<1000x128xf32>
    %add3A = arith.addf %get3A_1, %mul3A_9 : vector<1000x128xf32>
    %get3A_10 = arith.constant 0 : index
    %get3A_11 = arith.constant 0 : index
    %get3A_12 = vector.load %arg4[%get3A_10, %get3A_11] : memref<1x128xf32, #tpu.memory_space<vmem>>, vector<1x128xf32>
    %add3A_13 = vector.broadcast %get3A_12 : vector<1x128xf32> to vector<1000x128xf32>
    %add3A_14 = arith.addf %add3A, %add3A_13 : vector<1000x128xf32>
    %swap3A = arith.constant 0 : index
    %swap3A_15 = arith.constant 0 : index
    %swap3A_16 = vector.load %arg5[%swap3A, %swap3A_15] : memref<1000x128xf32, #tpu.memory_space<vmem>>, vector<1000x128xf32>
    tpu.vector_store %arg5[%swap3A, %swap3A_15], %add3A_14 {strides = array<i32>} : memref<1000x128xf32, #tpu.memory_space<vmem>>, vector<1000x128xf32>,
    return
  }
  func.func @transform_0(%arg0: i32) -> (i32, i32) {
    %c0_i32 = arith.constant 0 : i32
    %c0_i32_0 = arith.constant 0 : i32
    return %arg0, %c0_i32 : i32, i32
  }
  func.func @transform_1(%arg0: i32) -> (i32, i32) {
    %c0_i32 = arith.constant 0 : i32
    %c0_i32_0 = arith.constant 0 : i32
    return %arg0, %c0_i32 : i32, i32
  }
  func.func @transform_2(%arg0: i32) -> (i32, i32) {
    %c0_i32 = arith.constant 0 : i32
    %c0_i32_0 = arith.constant 0 : i32
    %c0_i32_1 = arith.constant 0 : i32
    return %c0_i32, %c0_i32_0 : i32, i32
  }
  func.func @transform_3(%arg0: i32) -> (i32, i32) {
    %c0_i32 = arith.constant 0 : i32
    %c0_i32_0 = arith.constant 0 : i32
    %c0_i32_1 = arith.constant 0 : i32
    return %c0_i32, %c0_i32_0 : i32, i32
  }
  func.func @transform_4(%arg0: i32) -> (i32, i32) {
    %c0_i32 = arith.constant 0 : i32
    %c0_i32_0 = arith.constant 0 : i32
    return %arg0, %c0_i32 : i32, i32
  }
}

module attributes {stable_mosaic.version = 14 : i64} {
  func.func @_relmm_body(%arg0: i32, %arg1: i32, %arg2: memref<1000x128xf32, #tpu.memory_space<vmem>>, %arg3: memref<1x128x64xf32, #tpu.memory_space<vmem>>, %arg4: memref<1000x128xf32, #tpu.memory_space<vmem>>) attributes {dimension_semantics = [#tpu.dimension_semantics<arbitrary>, #tpu.dimension_semantics<arbitrary>], iteration_bounds = array<i64: 4, 10>, scalar_prefetch = 0 : i64, scratch_operands = 0 : i64, tpu.core_type = #tpu.core_type<tc>, window_params = [{transform_indices = @transform_0, window_bounds = array<i64: 1000, 128>}, {transform_indices = @transform_1, window_bounds = array<i64: 1, 128, 64>}, {transform_indices = @transform_2, window_bounds = array<i64: 1000, 128>}]} {
    %get3A = arith.constant 0 : index
    %get3A_0 = arith.constant 0 : index
    %get3A_1 = vector.load %arg2[%get3A, %get3A_0] : memref<1000x128xf32, #tpu.memory_space<vmem>>, vector<1000x128xf32>
    %get3A_2 = arith.constant 0 : index
    %get3A_3 = arith.constant 0 : index
    %get3A_4 = arith.constant 0 : index
    %get3A_5 = vector.load %arg3[%get3A_2, %get3A_3, %get3A_4] : memref<1x128x64xf32, #tpu.memory_space<vmem>>, vector<1x128x64xf32>
    %get3A_6 = vector.shape_cast %get3A_5 : vector<1x128x64xf32> to vector<128x64xf32>
    %dot_general3A = arith.constant dense<0.000000e+00> : vector<1000x64xf32>
    %dot_general3A_7 = tpu.matmul %get3A_1, %get3A_6, %dot_general3A {dimension_numbers = #tpu.dot_dimension_numbers<[1], [0], [0], [1], [0, 0, 1, 1], [], []>, transpose_lhs_hint = false} : vector<1000x128xf32>, vector<128x64xf32>, vector<1000x64xf32> -> vector<1000x64xf32>
    %broadcast_in_dim3A = arith.constant 1.000000e+00 : f32
    %broadcast_in_dim3A_8 = vector.broadcast %broadcast_in_dim3A : f32 to vector<1000x1xf32>
    %broadcast_in_dim3A_9 = arith.constant 0.000000e+00 : f32
    %broadcast_in_dim3A_10 = vector.broadcast %broadcast_in_dim3A_9 : f32 to vector<1000x63xf32>
    %concatenate3A = tpu.concatenate %broadcast_in_dim3A_8, %broadcast_in_dim3A_10 in 1 : vector<1000x1xf32>, vector<1000x63xf32> -> vector<1000x64xf32>
    %concatenate3A_11 = tpu.concatenate %dot_general3A_7, %concatenate3A in 1 : vector<1000x64xf32>, vector<1000x64xf32> -> vector<1000x128xf32>
    %swap3A = arith.constant 0 : index
    %swap3A_12 = arith.constant 0 : index
    %swap3A_13 = vector.load %arg4[%swap3A, %swap3A_12] : memref<1000x128xf32, #tpu.memory_space<vmem>>, vector<1000x128xf32>
    tpu.vector_store %arg4[%swap3A, %swap3A_12], %concatenate3A_11 {strides = array<i32>} : memref<1000x128xf32, #tpu.memory_space<vmem>>, vector<1000x128xf32>,
    return
  }
  func.func @transform_0(%arg0: i32, %arg1: i32) -> (i32, i32) {
    %c0_i32 = arith.constant 0 : i32
    %c0_i32_0 = arith.constant 0 : i32
    return %arg1, %c0_i32 : i32, i32
  }
  func.func @transform_1(%arg0: i32, %arg1: i32) -> (i32, i32, i32) {
    %c0_i32 = arith.constant 0 : i32
    %c0_i32_0 = arith.constant 0 : i32
    %c0_i32_1 = arith.constant 0 : i32
    return %arg0, %c0_i32, %c0_i32_0 : i32, i32, i32
  }
  func.func @transform_2(%arg0: i32, %arg1: i32) -> (i32, i32) {
    %mul3A = arith.constant 10 : i32
    %mul3A_0 = arith.muli %arg0, %mul3A : i32
    %add3A = arith.addi %mul3A_0, %arg1 : i32
    %c0_i32 = arith.constant 0 : i32
    %c0_i32_1 = arith.constant 0 : i32
    return %add3A, %c0_i32 : i32, i32
  }
}

module attributes {stable_mosaic.version = 14 : i64} {
  func.func @_relmm_body(%arg0: i32, %arg1: i32, %arg2: memref<1000x64xf32, #tpu.memory_space<vmem>>, %arg3: memref<1x64x64xf32, #tpu.memory_space<vmem>>, %arg4: memref<1000x128xf32, #tpu.memory_space<vmem>>) attributes {dimension_semantics = [#tpu.dimension_semantics<arbitrary>, #tpu.dimension_semantics<arbitrary>], iteration_bounds = array<i64: 4, 10>, scalar_prefetch = 0 : i64, scratch_operands = 0 : i64, tpu.core_type = #tpu.core_type<tc>, window_params = [{transform_indices = @transform_0, window_bounds = array<i64: 1000, 64>}, {transform_indices = @transform_1, window_bounds = array<i64: 1, 64, 64>}, {transform_indices = @transform_2, window_bounds = array<i64: 1000, 128>}]} {
    %get3A = arith.constant 0 : index
    %get3A_0 = arith.constant 0 : index
    %get3A_1 = vector.load %arg2[%get3A, %get3A_0] : memref<1000x64xf32, #tpu.memory_space<vmem>>, vector<1000x64xf32>
    %get3A_2 = arith.constant 0 : index
    %get3A_3 = arith.constant 0 : index
    %get3A_4 = arith.constant 0 : index
    %get3A_5 = vector.load %arg3[%get3A_2, %get3A_3, %get3A_4] : memref<1x64x64xf32, #tpu.memory_space<vmem>>, vector<1x64x64xf32>
    %get3A_6 = vector.shape_cast %get3A_5 : vector<1x64x64xf32> to vector<64x64xf32>
    %dot_general3A = arith.constant dense<0.000000e+00> : vector<1000x64xf32>
    %dot_general3A_7 = tpu.matmul %get3A_1, %get3A_6, %dot_general3A {dimension_numbers = #tpu.dot_dimension_numbers<[1], [0], [0], [1], [0, 0, 1, 1], [], []>, transpose_lhs_hint = false} : vector<1000x64xf32>, vector<64x64xf32>, vector<1000x64xf32> -> vector<1000x64xf32>
    %broadcast_in_dim3A = arith.constant 1.000000e+00 : f32
    %broadcast_in_dim3A_8 = vector.broadcast %broadcast_in_dim3A : f32 to vector<1000x1xf32>
    %broadcast_in_dim3A_9 = arith.constant 0.000000e+00 : f32
    %broadcast_in_dim3A_10 = vector.broadcast %broadcast_in_dim3A_9 : f32 to vector<1000x63xf32>
    %concatenate3A = tpu.concatenate %broadcast_in_dim3A_8, %broadcast_in_dim3A_10 in 1 : vector<1000x1xf32>, vector<1000x63xf32> -> vector<1000x64xf32>
    %concatenate3A_11 = tpu.concatenate %dot_general3A_7, %concatenate3A in 1 : vector<1000x64xf32>, vector<1000x64xf32> -> vector<1000x128xf32>
    %swap3A = arith.constant 0 : index
    %swap3A_12 = arith.constant 0 : index
    %swap3A_13 = vector.load %arg4[%swap3A, %swap3A_12] : memref<1000x128xf32, #tpu.memory_space<vmem>>, vector<1000x128xf32>
    tpu.vector_store %arg4[%swap3A, %swap3A_12], %concatenate3A_11 {strides = array<i32>} : memref<1000x128xf32, #tpu.memory_space<vmem>>, vector<1000x128xf32>,
    return
  }
  func.func @transform_0(%arg0: i32, %arg1: i32) -> (i32, i32) {
    %c0_i32 = arith.constant 0 : i32
    %c0_i32_0 = arith.constant 0 : i32
    return %arg1, %c0_i32 : i32, i32
  }
  func.func @transform_1(%arg0: i32, %arg1: i32) -> (i32, i32, i32) {
    %c0_i32 = arith.constant 0 : i32
    %c0_i32_0 = arith.constant 0 : i32
    %c0_i32_1 = arith.constant 0 : i32
    return %arg0, %c0_i32, %c0_i32_0 : i32, i32, i32
  }
  func.func @transform_2(%arg0: i32, %arg1: i32) -> (i32, i32) {
    %mul3A = arith.constant 10 : i32
    %mul3A_0 = arith.muli %arg0, %mul3A : i32
    %add3A = arith.addi %mul3A_0, %arg1 : i32
    %c0_i32 = arith.constant 0 : i32
    %c0_i32_1 = arith.constant 0 : i32
    return %add3A, %c0_i32 : i32, i32
  }
}

module attributes {stable_mosaic.version = 14 : i64} {
  func.func @_layer_body(%arg0: i32, %arg1: memref<1000x128xf32, #tpu.memory_space<vmem>>, %arg2: memref<2x1000x128xf32, #tpu.memory_space<vmem>>, %arg3: memref<128x64xf32, #tpu.memory_space<vmem>>, %arg4: memref<1x64xf32, #tpu.memory_space<vmem>>, %arg5: memref<1000x64xf32, #tpu.memory_space<vmem>>) attributes {dimension_semantics = [#tpu.dimension_semantics<arbitrary>], iteration_bounds = array<i64: 10>, scalar_prefetch = 0 : i64, scratch_operands = 0 : i64, tpu.core_type = #tpu.core_type<tc>, window_params = [{transform_indices = @transform_0, window_bounds = array<i64: 1000, 128>}, {transform_indices = @transform_1, window_bounds = array<i64: 2, 1000, 128>}, {pipeline_mode = #tpu.pipeline_mode<synchronous>, transform_indices = @transform_2, window_bounds = array<i64: 128, 64>}, {pipeline_mode = #tpu.pipeline_mode<synchronous>, transform_indices = @transform_3, window_bounds = array<i64: 1, 64>}, {transform_indices = @transform_4, window_bounds = array<i64: 1000, 64>}]} {
    %get3A = arith.constant 0 : index
    %get3A_0 = arith.constant 0 : index
    %get3A_1 = arith.constant 0 : index
    %get3A_2 = vector.load %arg2[%get3A, %get3A_0, %get3A_1] : memref<2x1000x128xf32, #tpu.memory_space<vmem>>, vector<1x1000x64xf32>
    %get3A_3 = vector.shape_cast %get3A_2 : vector<1x1000x64xf32> to vector<1000x64xf32>
    %get3A_4 = arith.constant 1 : index
    %get3A_5 = arith.constant 0 : index
    %get3A_6 = arith.constant 0 : index
    %get3A_7 = vector.load %arg2[%get3A_4, %get3A_5, %get3A_6] : memref<2x1000x128xf32, #tpu.memory_space<vmem>>, vector<1x1000x64xf32>
    %get3A_8 = vector.shape_cast %get3A_7 : vector<1x1000x64xf32> to vector<1000x64xf32>
    %add3A = arith.addf %get3A_3, %get3A_8 : vector<1000x64xf32>
    %get3A_9 = arith.constant 0 : index
    %get3A_10 = arith.constant 0 : index
    %get3A_11 = arith.constant 64 : index
    %get3A_12 = vector.load %arg2[%get3A_9, %get3A_10, %get3A_11] : memref<2x1000x128xf32, #tpu.memory_space<vmem>>, vector<1x1000x1xf32>
    %get3A_13 = vector.shape_cast %get3A_12 : vector<1x1000x1xf32> to vector<1000x1xf32>
    %get3A_14 = arith.constant 1 : index
    %get3A_15 = arith.constant 0 : index
    %get3A_16 = arith.constant 64 : index
    %get3A_17 = vector.load %arg2[%get3A_14, %get3A_15, %get3A_16] : memref<2x1000x128xf32, #tpu.memory_space<vmem>>, vector<1x1000x1xf32>
    %get3A_18 = vector.shape_cast %get3A_17 : vector<1x1000x1xf32> to vector<1000x1xf32>
    %add3A_19 = arith.addf %get3A_13, %get3A_18 : vector<1000x1xf32>
    %max3A = arith.constant 1.000000e+00 : f32
    %max3A_20 = vector.broadcast %max3A : f32 to vector<1000x1xf32>
    %max3A_21 = arith.maximumf %add3A_19, %max3A_20 : vector<1000x1xf32>
    %div3A = vector.broadcast %max3A_21 : vector<1000x1xf32> to vector<1000x64xf32>
    %div3A_22 = arith.divf %add3A, %div3A : vector<1000x64xf32>
    %get3A_23 = arith.constant 0 : index
    %get3A_24 = arith.constant 0 : index
    %get3A_25 = vector.load %arg1[%get3A_23, %get3A_24] : memref<1000x128xf32, #tpu.memory_space<vmem>>, vector<1000x128xf32>
    %get3A_26 = arith.constant 0 : index
    %get3A_27 = arith.constant 0 : index
    %get3A_28 = vector.load %arg3[%get3A_26, %get3A_27] : memref<128x64xf32, #tpu.memory_space<vmem>>, vector<128x64xf32>
    %dot_general3A = arith.constant dense<0.000000e+00> : vector<1000x64xf32>
    %dot_general3A_29 = tpu.matmul %get3A_25, %get3A_28, %dot_general3A {dimension_numbers = #tpu.dot_dimension_numbers<[1], [0], [0], [1], [0, 0, 1, 1], [], []>, transpose_lhs_hint = false} : vector<1000x128xf32>, vector<128x64xf32>, vector<1000x64xf32> -> vector<1000x64xf32>
    %get3A_30 = arith.constant 0 : index
    %get3A_31 = arith.constant 0 : index
    %get3A_32 = vector.load %arg4[%get3A_30, %get3A_31] : memref<1x64xf32, #tpu.memory_space<vmem>>, vector<1x64xf32>
    %add3A_33 = vector.broadcast %get3A_32 : vector<1x64xf32> to vector<1000x64xf32>
    %add3A_34 = arith.addf %dot_general3A_29, %add3A_33 : vector<1000x64xf32>
    %add3A_35 = arith.addf %add3A_34, %div3A_22 : vector<1000x64xf32>
    %max3A_36 = arith.constant 0.000000e+00 : f32
    %max3A_37 = vector.broadcast %max3A_36 : f32 to vector<1000x64xf32>
    %max3A_38 = arith.maximumf %add3A_35, %max3A_37 : vector<1000x64xf32>
    %swap3A = arith.constant 0 : index
    %swap3A_39 = arith.constant 0 : index
    %swap3A_40 = vector.load %arg5[%swap3A, %swap3A_39] : memref<1000x64xf32, #tpu.memory_space<vmem>>, vector<1000x64xf32>
    tpu.vector_store %arg5[%swap3A, %swap3A_39], %max3A_38 {strides = array<i32>} : memref<1000x64xf32, #tpu.memory_space<vmem>>, vector<1000x64xf32>,
    return
  }
  func.func @transform_0(%arg0: i32) -> (i32, i32) {
    %c0_i32 = arith.constant 0 : i32
    %c0_i32_0 = arith.constant 0 : i32
    return %arg0, %c0_i32 : i32, i32
  }
  func.func @transform_1(%arg0: i32) -> (i32, i32, i32) {
    %c0_i32 = arith.constant 0 : i32
    %c0_i32_0 = arith.constant 0 : i32
    %c0_i32_1 = arith.constant 0 : i32
    return %c0_i32, %arg0, %c0_i32_0 : i32, i32, i32
  }
  func.func @transform_2(%arg0: i32) -> (i32, i32) {
    %c0_i32 = arith.constant 0 : i32
    %c0_i32_0 = arith.constant 0 : i32
    %c0_i32_1 = arith.constant 0 : i32
    return %c0_i32, %c0_i32_0 : i32, i32
  }
  func.func @transform_3(%arg0: i32) -> (i32, i32) {
    %c0_i32 = arith.constant 0 : i32
    %c0_i32_0 = arith.constant 0 : i32
    %c0_i32_1 = arith.constant 0 : i32
    return %c0_i32, %c0_i32_0 : i32, i32
  }
  func.func @transform_4(%arg0: i32) -> (i32, i32) {
    %c0_i32 = arith.constant 0 : i32
    %c0_i32_0 = arith.constant 0 : i32
    return %arg0, %c0_i32 : i32, i32
  }
}

module attributes {stable_mosaic.version = 14 : i64} {
  func.func @_layer_body(%arg0: i32, %arg1: memref<1000x64xf32, #tpu.memory_space<vmem>>, %arg2: memref<2x1000x128xf32, #tpu.memory_space<vmem>>, %arg3: memref<64x64xf32, #tpu.memory_space<vmem>>, %arg4: memref<1x64xf32, #tpu.memory_space<vmem>>, %arg5: memref<1000x64xf32, #tpu.memory_space<vmem>>) attributes {dimension_semantics = [#tpu.dimension_semantics<arbitrary>], iteration_bounds = array<i64: 10>, scalar_prefetch = 0 : i64, scratch_operands = 0 : i64, tpu.core_type = #tpu.core_type<tc>, window_params = [{transform_indices = @transform_0, window_bounds = array<i64: 1000, 64>}, {transform_indices = @transform_1, window_bounds = array<i64: 2, 1000, 128>}, {pipeline_mode = #tpu.pipeline_mode<synchronous>, transform_indices = @transform_2, window_bounds = array<i64: 64, 64>}, {pipeline_mode = #tpu.pipeline_mode<synchronous>, transform_indices = @transform_3, window_bounds = array<i64: 1, 64>}, {transform_indices = @transform_4, window_bounds = array<i64: 1000, 64>}]} {
    %get3A = arith.constant 0 : index
    %get3A_0 = arith.constant 0 : index
    %get3A_1 = arith.constant 0 : index
    %get3A_2 = vector.load %arg2[%get3A, %get3A_0, %get3A_1] : memref<2x1000x128xf32, #tpu.memory_space<vmem>>, vector<1x1000x64xf32>
    %get3A_3 = vector.shape_cast %get3A_2 : vector<1x1000x64xf32> to vector<1000x64xf32>
    %get3A_4 = arith.constant 1 : index
    %get3A_5 = arith.constant 0 : index
    %get3A_6 = arith.constant 0 : index
    %get3A_7 = vector.load %arg2[%get3A_4, %get3A_5, %get3A_6] : memref<2x1000x128xf32, #tpu.memory_space<vmem>>, vector<1x1000x64xf32>
    %get3A_8 = vector.shape_cast %get3A_7 : vector<1x1000x64xf32> to vector<1000x64xf32>
    %add3A = arith.addf %get3A_3, %get3A_8 : vector<1000x64xf32>
    %get3A_9 = arith.constant 0 : index
    %get3A_10 = arith.constant 0 : index
    %get3A_11 = arith.constant 64 : index
    %get3A_12 = vector.load %arg2[%get3A_9, %get3A_10, %get3A_11] : memref<2x1000x128xf32, #tpu.memory_space<vmem>>, vector<1x1000x1xf32>
    %get3A_13 = vector.shape_cast %get3A_12 : vector<1x1000x1xf32> to vector<1000x1xf32>
    %get3A_14 = arith.constant 1 : index
    %get3A_15 = arith.constant 0 : index
    %get3A_16 = arith.constant 64 : index
    %get3A_17 = vector.load %arg2[%get3A_14, %get3A_15, %get3A_16] : memref<2x1000x128xf32, #tpu.memory_space<vmem>>, vector<1x1000x1xf32>
    %get3A_18 = vector.shape_cast %get3A_17 : vector<1x1000x1xf32> to vector<1000x1xf32>
    %add3A_19 = arith.addf %get3A_13, %get3A_18 : vector<1000x1xf32>
    %max3A = arith.constant 1.000000e+00 : f32
    %max3A_20 = vector.broadcast %max3A : f32 to vector<1000x1xf32>
    %max3A_21 = arith.maximumf %add3A_19, %max3A_20 : vector<1000x1xf32>
    %div3A = vector.broadcast %max3A_21 : vector<1000x1xf32> to vector<1000x64xf32>
    %div3A_22 = arith.divf %add3A, %div3A : vector<1000x64xf32>
    %get3A_23 = arith.constant 0 : index
    %get3A_24 = arith.constant 0 : index
    %get3A_25 = vector.load %arg1[%get3A_23, %get3A_24] : memref<1000x64xf32, #tpu.memory_space<vmem>>, vector<1000x64xf32>
    %get3A_26 = arith.constant 0 : index
    %get3A_27 = arith.constant 0 : index
    %get3A_28 = vector.load %arg3[%get3A_26, %get3A_27] : memref<64x64xf32, #tpu.memory_space<vmem>>, vector<64x64xf32>
    %dot_general3A = arith.constant dense<0.000000e+00> : vector<1000x64xf32>
    %dot_general3A_29 = tpu.matmul %get3A_25, %get3A_28, %dot_general3A {dimension_numbers = #tpu.dot_dimension_numbers<[1], [0], [0], [1], [0, 0, 1, 1], [], []>, transpose_lhs_hint = false} : vector<1000x64xf32>, vector<64x64xf32>, vector<1000x64xf32> -> vector<1000x64xf32>
    %get3A_30 = arith.constant 0 : index
    %get3A_31 = arith.constant 0 : index
    %get3A_32 = vector.load %arg4[%get3A_30, %get3A_31] : memref<1x64xf32, #tpu.memory_space<vmem>>, vector<1x64xf32>
    %add3A_33 = vector.broadcast %get3A_32 : vector<1x64xf32> to vector<1000x64xf32>
    %add3A_34 = arith.addf %dot_general3A_29, %add3A_33 : vector<1000x64xf32>
    %add3A_35 = arith.addf %add3A_34, %div3A_22 : vector<1000x64xf32>
    %max3A_36 = arith.constant 0.000000e+00 : f32
    %max3A_37 = vector.broadcast %max3A_36 : f32 to vector<1000x64xf32>
    %max3A_38 = arith.maximumf %add3A_35, %max3A_37 : vector<1000x64xf32>
    %swap3A = arith.constant 0 : index
    %swap3A_39 = arith.constant 0 : index
    %swap3A_40 = vector.load %arg5[%swap3A, %swap3A_39] : memref<1000x64xf32, #tpu.memory_space<vmem>>, vector<1000x64xf32>
    tpu.vector_store %arg5[%swap3A, %swap3A_39], %max3A_38 {strides = array<i32>} : memref<1000x64xf32, #tpu.memory_space<vmem>>, vector<1000x64xf32>,
    return
  }
  func.func @transform_0(%arg0: i32) -> (i32, i32) {
    %c0_i32 = arith.constant 0 : i32
    %c0_i32_0 = arith.constant 0 : i32
    return %arg0, %c0_i32 : i32, i32
  }
  func.func @transform_1(%arg0: i32) -> (i32, i32, i32) {
    %c0_i32 = arith.constant 0 : i32
    %c0_i32_0 = arith.constant 0 : i32
    %c0_i32_1 = arith.constant 0 : i32
    return %c0_i32, %arg0, %c0_i32_0 : i32, i32, i32
  }
  func.func @transform_2(%arg0: i32) -> (i32, i32) {
    %c0_i32 = arith.constant 0 : i32
    %c0_i32_0 = arith.constant 0 : i32
    %c0_i32_1 = arith.constant 0 : i32
    return %c0_i32, %c0_i32_0 : i32, i32
  }
  func.func @transform_3(%arg0: i32) -> (i32, i32) {
    %c0_i32 = arith.constant 0 : i32
    %c0_i32_0 = arith.constant 0 : i32
    %c0_i32_1 = arith.constant 0 : i32
    return %c0_i32, %c0_i32_0 : i32, i32
  }
  func.func @transform_4(%arg0: i32) -> (i32, i32) {
    %c0_i32 = arith.constant 0 : i32
    %c0_i32_0 = arith.constant 0 : i32
    return %arg0, %c0_i32 : i32, i32
  }
}

module attributes {stable_mosaic.version = 14 : i64} {
  func.func @_pool_body(%arg0: memref<10000x64xf32, #tpu.memory_space<vmem>>, %arg1: memref<10000x64xf32, #tpu.memory_space<vmem>>, %arg2: memref<10000x64xf32, #tpu.memory_space<vmem>>, %arg3: memref<1x10000xi32, #tpu.memory_space<vmem>>, %arg4: memref<64x1xi32, #tpu.memory_space<vmem>>, %arg5: memref<64x202xf32, #tpu.memory_space<vmem>>) attributes {dimension_semantics = [], scalar_prefetch = 0 : i64, scratch_operands = 0 : i64, tpu.core_type = #tpu.core_type<tc>} {
    %get3A = arith.constant 0 : index
    %get3A_0 = arith.constant 0 : index
    %get3A_1 = vector.load %arg0[%get3A, %get3A_0] : memref<10000x64xf32, #tpu.memory_space<vmem>>, vector<10000x64xf32>
    %get3A_2 = arith.constant 0 : index
    %get3A_3 = arith.constant 0 : index
    %get3A_4 = vector.load %arg1[%get3A_2, %get3A_3] : memref<10000x64xf32, #tpu.memory_space<vmem>>, vector<10000x64xf32>
    %get3A_5 = arith.constant 0 : index
    %get3A_6 = arith.constant 0 : index
    %get3A_7 = vector.load %arg2[%get3A_5, %get3A_6] : memref<10000x64xf32, #tpu.memory_space<vmem>>, vector<10000x64xf32>
    %concatenate3A = tpu.concatenate %get3A_1, %get3A_4, %get3A_7 in 1 : vector<10000x64xf32>, vector<10000x64xf32>, vector<10000x64xf32> -> vector<10000x192xf32>
    %get3A_8 = arith.constant 0 : index
    %get3A_9 = arith.constant 0 : index
    %get3A_10 = vector.load %arg3[%get3A_8, %get3A_9] : memref<1x10000xi32, #tpu.memory_space<vmem>>, vector<1x10000xi32>
    %iota3A = tpu.iota {dimensions = array<i32: 0>} : vector<64x10000xi32>
    %eq3A = vector.broadcast %get3A_10 : vector<1x10000xi32> to vector<64x10000xi32>
    %eq3A_11 = arith.cmpi eq, %eq3A, %iota3A : vector<64x10000xi32>
    %convert_element_type3A = arith.extui %eq3A_11 : vector<64x10000xi1> to vector<64x10000xi32>
    %convert_element_type3A_12 = arith.sitofp %convert_element_type3A : vector<64x10000xi32> to vector<64x10000xf32>
    %dot_general3A = arith.constant dense<0.000000e+00> : vector<64x192xf32>
    %dot_general3A_13 = tpu.matmul %convert_element_type3A_12, %concatenate3A, %dot_general3A {dimension_numbers = #tpu.dot_dimension_numbers<[1], [0], [0], [1], [0, 0, 1, 1], [], []>, transpose_lhs_hint = false} : vector<64x10000xf32>, vector<10000x192xf32>, vector<64x192xf32> -> vector<64x192xf32>
    %reduce_sum3A = arith.constant dense<0.000000e+00> : vector<64xf32>
    %reduce_sum3A_14 = vector.multi_reduction <add>, %convert_element_type3A_12, %reduce_sum3A [1] : vector<64x10000xf32> to vector<64xf32>
    %reshape3A = vector.shape_cast %reduce_sum3A_14 : vector<64xf32> to vector<64x1xf32>
    %max3A = arith.constant 1.000000e+00 : f32
    %max3A_15 = vector.broadcast %max3A : f32 to vector<64x1xf32>
    %max3A_16 = arith.maximumf %reshape3A, %max3A_15 : vector<64x1xf32>
    %div3A = vector.broadcast %max3A_16 : vector<64x1xf32> to vector<64x192xf32>
    %div3A_17 = arith.divf %dot_general3A_13, %div3A : vector<64x192xf32>
    %get3A_18 = arith.constant 0 : index
    %get3A_19 = arith.constant 0 : index
    %get3A_20 = vector.load %arg4[%get3A_18, %get3A_19] : memref<64x1xi32, #tpu.memory_space<vmem>>, vector<64x1xi32>
    %iota3A_21 = tpu.iota {dimensions = array<i32: 1>} : vector<64x10xi32>
    %eq3A_22 = vector.broadcast %get3A_20 : vector<64x1xi32> to vector<64x10xi32>
    %eq3A_23 = arith.cmpi eq, %eq3A_22, %iota3A_21 : vector<64x10xi32>
    %convert_element_type3A_24 = arith.extui %eq3A_23 : vector<64x10xi1> to vector<64x10xi32>
    %convert_element_type3A_25 = arith.sitofp %convert_element_type3A_24 : vector<64x10xi32> to vector<64x10xf32>
    %concatenate3A_26 = tpu.concatenate %div3A_17, %convert_element_type3A_25 in 1 : vector<64x192xf32>, vector<64x10xf32> -> vector<64x202xf32>
    %swap3A = arith.constant 0 : index
    %swap3A_27 = arith.constant 0 : index
    %swap3A_28 = vector.load %arg5[%swap3A, %swap3A_27] : memref<64x202xf32, #tpu.memory_space<vmem>>, vector<64x202xf32>
    tpu.vector_store %arg5[%swap3A, %swap3A_27], %concatenate3A_26 {strides = array<i32>} : memref<64x202xf32, #tpu.memory_space<vmem>>, vector<64x202xf32>,
    return
  }
}

module attributes {stable_mosaic.version = 14 : i64} {
  func.func @_ctx_body(%arg0: i32, %arg1: memref<1000x64xf32, #tpu.memory_space<vmem>>, %arg2: memref<1000x64xf32, #tpu.memory_space<vmem>>, %arg3: memref<1000x64xf32, #tpu.memory_space<vmem>>, %arg4: memref<1000x128xf32, #tpu.memory_space<vmem>>, %arg5: memref<1000x1xi32, #tpu.memory_space<vmem>>, %arg6: memref<64x202xf32, #tpu.memory_space<vmem>>, %arg7: memref<1000x522xf32, #tpu.memory_space<vmem>>) attributes {dimension_semantics = [#tpu.dimension_semantics<arbitrary>], iteration_bounds = array<i64: 10>, scalar_prefetch = 0 : i64, scratch_operands = 0 : i64, tpu.core_type = #tpu.core_type<tc>, window_params = [{transform_indices = @transform_0, window_bounds = array<i64: 1000, 64>}, {transform_indices = @transform_1, window_bounds = array<i64: 1000, 64>}, {transform_indices = @transform_2, window_bounds = array<i64: 1000, 64>}, {transform_indices = @transform_3, window_bounds = array<i64: 1000, 128>}, {transform_indices = @transform_4, window_bounds = array<i64: 1000, 1>}, {pipeline_mode = #tpu.pipeline_mode<synchronous>, transform_indices = @transform_5, window_bounds = array<i64: 64, 202>}, {transform_indices = @transform_6, window_bounds = array<i64: 1000, 522>}]} {
    %get3A = arith.constant 0 : index
    %get3A_0 = arith.constant 0 : index
    %get3A_1 = vector.load %arg5[%get3A, %get3A_0] : memref<1000x1xi32, #tpu.memory_space<vmem>>, vector<1000x1xi32>
    %iota3A = tpu.iota {dimensions = array<i32: 1>} : vector<1000x64xi32>
    %eq3A = vector.broadcast %get3A_1 : vector<1000x1xi32> to vector<1000x64xi32>
    %eq3A_2 = arith.cmpi eq, %eq3A, %iota3A : vector<1000x64xi32>
    %convert_element_type3A = arith.extui %eq3A_2 : vector<1000x64xi1> to vector<1000x64xi32>
    %convert_element_type3A_3 = arith.sitofp %convert_element_type3A : vector<1000x64xi32> to vector<1000x64xf32>
    %get3A_4 = arith.constant 0 : index
    %get3A_5 = arith.constant 0 : index
    %get3A_6 = vector.load %arg6[%get3A_4, %get3A_5] : memref<64x202xf32, #tpu.memory_space<vmem>>, vector<64x202xf32>
    %dot_general3A = arith.constant dense<0.000000e+00> : vector<1000x202xf32>
    %dot_general3A_7 = tpu.matmul %convert_element_type3A_3, %get3A_6, %dot_general3A {dimension_numbers = #tpu.dot_dimension_numbers<[1], [0], [0], [1], [0, 0, 1, 1], [], []>, transpose_lhs_hint = false} : vector<1000x64xf32>, vector<64x202xf32>, vector<1000x202xf32> -> vector<1000x202xf32>
    %get3A_8 = arith.constant 0 : index
    %get3A_9 = arith.constant 0 : index
    %get3A_10 = vector.load %arg1[%get3A_8, %get3A_9] : memref<1000x64xf32, #tpu.memory_space<vmem>>, vector<1000x64xf32>
    %get3A_11 = arith.constant 0 : index
    %get3A_12 = arith.constant 0 : index
    %get3A_13 = vector.load %arg2[%get3A_11, %get3A_12] : memref<1000x64xf32, #tpu.memory_space<vmem>>, vector<1000x64xf32>
    %get3A_14 = arith.constant 0 : index
    %get3A_15 = arith.constant 0 : index
    %get3A_16 = vector.load %arg3[%get3A_14, %get3A_15] : memref<1000x64xf32, #tpu.memory_space<vmem>>, vector<1000x64xf32>
    %get3A_17 = arith.constant 0 : index
    %get3A_18 = arith.constant 0 : index
    %get3A_19 = vector.load %arg4[%get3A_17, %get3A_18] : memref<1000x128xf32, #tpu.memory_space<vmem>>, vector<1000x128xf32>
    %concatenate3A = tpu.concatenate %get3A_10, %get3A_13, %get3A_16, %get3A_19, %dot_general3A_7 in 1 : vector<1000x64xf32>, vector<1000x64xf32>, vector<1000x64xf32>, vector<1000x128xf32>, vector<1000x202xf32> -> vector<1000x522xf32>
    %swap3A = arith.constant 0 : index
    %swap3A_20 = arith.constant 0 : index
    %swap3A_21 = vector.load %arg7[%swap3A, %swap3A_20] : memref<1000x522xf32, #tpu.memory_space<vmem>>, vector<1000x522xf32>
    tpu.vector_store %arg7[%swap3A, %swap3A_20], %concatenate3A {strides = array<i32>} : memref<1000x522xf32, #tpu.memory_space<vmem>>, vector<1000x522xf32>,
    return
  }
  func.func @transform_0(%arg0: i32) -> (i32, i32) {
    %c0_i32 = arith.constant 0 : i32
    %c0_i32_0 = arith.constant 0 : i32
    return %arg0, %c0_i32 : i32, i32
  }
  func.func @transform_1(%arg0: i32) -> (i32, i32) {
    %c0_i32 = arith.constant 0 : i32
    %c0_i32_0 = arith.constant 0 : i32
    return %arg0, %c0_i32 : i32, i32
  }
  func.func @transform_2(%arg0: i32) -> (i32, i32) {
    %c0_i32 = arith.constant 0 : i32
    %c0_i32_0 = arith.constant 0 : i32
    return %arg0, %c0_i32 : i32, i32
  }
  func.func @transform_3(%arg0: i32) -> (i32, i32) {
    %c0_i32 = arith.constant 0 : i32
    %c0_i32_0 = arith.constant 0 : i32
    return %arg0, %c0_i32 : i32, i32
  }
  func.func @transform_4(%arg0: i32) -> (i32, i32) {
    %c0_i32 = arith.constant 0 : i32
    %c0_i32_0 = arith.constant 0 : i32
    return %arg0, %c0_i32 : i32, i32
  }
  func.func @transform_5(%arg0: i32) -> (i32, i32) {
    %c0_i32 = arith.constant 0 : i32
    %c0_i32_0 = arith.constant 0 : i32
    %c0_i32_1 = arith.constant 0 : i32
    return %c0_i32, %c0_i32_0 : i32, i32
  }
  func.func @transform_6(%arg0: i32) -> (i32, i32) {
    %c0_i32 = arith.constant 0 : i32
    %c0_i32_0 = arith.constant 0 : i32
    return %arg0, %c0_i32 : i32, i32
  }
}

</mosaic_0001>

<sc_bundles>
// kernel: kernel.15.cloned.1.call-start
scs
__scs_entry_jumppad:
0x0: {  	(pc) =	sbr.rel $0x88, $3  }
0x1: {  	(tag) =	ssettag $0x0;
	lr =	simm.s32 $0x1  }
0x2: {  	[smem:$0x3F90] =	sst lr;
	_ =	strace $0xD0000000  }
0x3: {  	_ = 	snop  }
0x4: {  	_ = 	snop  }
0x5: {  	_ = 	snop  }
0x6: {  	_ = 	snop  }
0x7: {  	_ = 	snop  }
__scs_overlays_trampoline_lowered:
0x8: {  	[smem:$0x3F9F] =	sst s0  }
0x9: {  	[smem:$0x3FA0] =	sst s1  }
0xa: {  	[smem:$0x3FA1] =	sst s2  }
0xb: {  	[smem:$0x3FA2] =	sst s3  }
0xc: {  	[smem:$0x3FA3] =	sst s4  }
0xd: {  	[smem:$0x3FA4] =	sst s5  }
0xe: {  	[smem:$0x3FA5] =	sst s6  }
0xf: {  	[smem:$0x3FA6] =	sst s7  }
0x10: {  	[smem:$0x3FA7] =	sst s8  }
0x11: {  	[smem:$0x3FA8] =	sst s9;
	s0 =	simm.s32 @!p0 $0x0  }
0x12: {  	s1 =	sld [smem:$0x3F8E];
	s0 =	simm.s32 @p0 $0x1  }
0x13: {  	[smem:$0x3FA9] =	sst s0;
	s0 =	simm.s32 @!p1 $0x0  }
0x14: {  	s2 =	sld [smem:$0x3F8D];
	s0 =	simm.s32 @p1 $0x1  }
0x15: {  	[smem:$0x3FAA] =	sst s0;
	s0 =	simm.s32 @!p2 $0x0  }
0x16: {  	s3 =	sld [smem:$0x3FDB];
	s0 =	simm.s32 @p2 $0x1  }
0x17: {  	s4 =	simm.s32 $0x1BF5;
	[smem:$0x3FAC] =	sst s0  }
0x18: {  	s0 =	sld [smem:$0x3F8F];
	_ =	swait.ge [sflag:s4], $0x0  }
0x19: {  	s7 =	sld [smem:$0x3F90]  }
0x1a: {  	s8 =	sadd.s32 $0xFFFFE003, lr  }
0x1b: {  	s9 =	sadd.s32 $0xFFFFFEF7, lr;
	s5 =	simm.s32 $0xFFFFFFFF;
	p2 =	slt.u32 s8, $0xFFFFF086  }
0x1c: {  	p1 =	slt.u32 s9, $0xF7A;
	s5 =	simm.s32 @!p2 $0x0  }
0x1d: {  	s5 =	simm.s32 @p1 $0x1;
	p0 =	seq.s32 s7, s2  }
0x1e: {  	s7 =	smul.u32 @!p0 $0xF7A, s2;
	p2 =	seq.s32 @!p0 s5, $0x0  }
0x1f: {  	s9 =	smul.u32 $0xF7A, s1;
	s8 =	simm.s32 @!p0 $0x1BF5;
	p2 =	por !p2, p0  }
0x20: {  	[sflag:s8] =	ssyncset.s32 @!p0 $0xFFFFF086;
	s6 =	sadd.s32 @!p0 s3, s7;
	s7 =	simm.s32 @!p0 $0x108  }
0x21: {  	s3 =	sadd.s32 s3, s9;
	s6 =	sadd.s32 @!p0 $0x88, s6;
	s7 =	simm.s32 @p2 $0x1082  }
0x22: {  	[simem:s7], [sflag:s8] =	dma.local @!p0 [hbm:s6], $0xF7A  }
0x23: {  	s9 =	sor.u32 $0xD0000000, s2;
	s6 =	simm.s32 $0x108;
	_ =	swait.ge @!p0 [sflag:s8], $0x0  }
0x24: {  	s3 =	sadd.s32 $0x88, s3;
	s6 =	simm.s32 @!p1 $0x1082;
	[sflag:s4] =	ssyncset.s32 $0xFFFFF086  }
0x25: {  	[simem:s6], [sflag:s4] =	dma.local [hbm:s3], $0xF7A  }
0x26: {  	[smem:$0x3F90] =	sst s1;
	(tag) =	ssettag s2;
	_ =	strace s9  }
0x27: {  	s1 =	sld [smem:$0x3FA0]  }
0x28: {  	s2 =	sld [smem:$0x3FA1]  }
0x29: {  	s4 =	sld [smem:$0x3FA3]  }
0x2a: {  	p0 =	seq.s32 s5, $0x0;
	s5 =	sld [smem:$0x3FA4]  }
0x2b: {  	s6 =	sld [smem:$0x3FA5]  }
0x2c: {  	s7 =	sld [smem:$0x3FA6]  }
0x2d: {  	s3 =	simm.s32 $0x108;
	s8 =	sld [smem:$0x3FA7]  }
0x2e: {  	s3 =	simm.s32 @!p0 $0x1082;
	s9 =	sld [smem:$0x3FA8]  }
0x2f: {  	lr =	sadd.s32 s0, s3;
	s0 =	sld [smem:$0x3F9F]  }
0x30: {  	s3 =	sld [smem:$0x3FA2]  }
0x31: {  	[smem:$0x3FAB] =	sst s10  }
0x32: {  	s10 =	sld [smem:$0x3FA9];
	_ =	sdelay $0x3  }
0x33: {  	p0 =	seq.s32 s10, $0x1;
	s10 =	sld [smem:$0x3FAB];
	_ =	sdelay $0x3  }
0x34: {  	[smem:$0x3FAB] =	sst s10  }
0x35: {  	s10 =	sld [smem:$0x3FAA];
	_ =	sdelay $0x3  }
0x36: {  	p1 =	seq.s32 s10, $0x1;
	s10 =	sld [smem:$0x3FAB];
	_ =	sdelay $0x3  }
0x37: {  	[smem:$0x3FAB] =	sst s10  }
0x38: {  	s10 =	sld [smem:$0x3FAC]  }
0x39: {  	_ = 	snop;
	(pc) =	sbr.ind lr, $3  }
0x3a: {  	_ = 	snop  }
0x3b: {  	_ = 	snop  }
0x3c: {  	p2 =	seq.s32 s10, $0x1;
	s10 =	sld [smem:$0x3FAB]  }
0x3d: {  	_ =	shalt  }
0x3e: {  	_ =	shalt  }
0x3f: {  	_ =	shalt  }
0x40: {  	_ =	shalt  }
0x41: {  	_ =	shalt  }
0x42: {  	_ =	shalt  }
0x43: {  	_ =	shalt  }
0x44: {  	_ =	shalt  }
0x45: {  	_ =	shalt  }
0x46: {  	_ =	shalt  }
0x47: {  	_ =	shalt  }
0x48: {  	_ =	shalt  }
0x49: {  	_ =	shalt  }
0x4a: {  	_ =	shalt  }
0x4b: {  	_ =	shalt  }
0x4c: {  	_ =	shalt  }
0x4d: {  	_ =	shalt  }
0x4e: {  	_ =	shalt  }
0x4f: {  	_ =	shalt  }
0x50: {  	_ =	shalt  }
0x51: {  	_ =	shalt  }
0x52: {  	_ =	shalt  }
0x53: {  	_ =	shalt  }
0x54: {  	_ =	shalt  }
0x55: {  	_ =	shalt  }
0x56: {  	_ =	shalt  }
0x57: {  	_ =	shalt  }
0x58: {  	_ =	shalt  }
0x59: {  	_ =	shalt  }
0x5a: {  	_ =	shalt  }
0x5b: {  	_ =	shalt  }
0x5c: {  	_ =	shalt  }
0x5d: {  	_ =	shalt  }
0x5e: {  	_ =	shalt  }
0x5f: {  	_ =	shalt  }
0x60: {  	_ =	shalt  }
0x61: {  	_ =	shalt  }
0x62: {  	_ =	shalt  }
0x63: {  	_ =	shalt  }
0x64: {  	_ =	shalt  }
0x65: {  	_ =	shalt  }
0x66: {  	_ =	shalt  }
0x67: {  	_ =	shalt  }
0x68: {  	_ =	shalt  }
0x69: {  	_ =	shalt  }
0x6a: {  	_ =	shalt  }
0x6b: {  	_ =	shalt  }
0x6c: {  	_ =	shalt  }
0x6d: {  	_ =	shalt  }
0x6e: {  	_ =	shalt  }
0x6f: {  	_ =	shalt  }
0x70: {  	_ =	shalt  }
0x71: {  	_ =	shalt  }
0x72: {  	_ =	shalt  }
0x73: {  	_ =	shalt  }
0x74: {  	_ =	shalt  }
0x75: {  	_ =	shalt  }
0x76: {  	_ =	shalt  }
0x77: {  	_ =	shalt  }
0x78: {  	_ =	shalt  }
0x79: {  	_ =	shalt  }
0x7a: {  	_ =	shalt  }
0x7b: {  	_ =	shalt  }
0x7c: {  	_ =	shalt  }
0x7d: {  	_ =	shalt  }
0x7e: {  	_ =	shalt  }
0x7f: {  	_ =	shalt  }
0x80: {  	_ =	shalt  }
0x81: {  	_ =	shalt  }
0x82: {  	_ =	shalt  }
0x83: {  	_ =	shalt  }
0x84: {  	_ =	shalt  }
0x85: {  	_ =	shalt  }
0x86: {  	_ =	shalt  }
0x87: {  	_ =	shalt  }
.Lfunc_end0:
.L_simem_size_0:
called_computation_lowered:
.L_overlay_start_0:
0x88: {  	s2 =	sld [smem:$0x3FD9]  }
0x89: {  	s3 =	sld [smem:$0x3FFE];
	_ =	sdelay $0x1  }
0x8a: {  	s1 =	srdreg.scid  }
0x8b: {  	s0 =	sand.u32 $0x1, s1  }
0x8c: {  	s14 =	sshll.u32 s0, $0xA;
	s2 =	sadd.s32 s3, s2  }
0x8d: {  	s2 =	sadd.s32 s2, s14  }
0x8e: {  	[smem:$0x3FB7] =	sst s2  }
0x8f: {  	_ = 	snop  }
0x90: {  	s2 =	sld [smem:$0x3FD0];
	_ =	sdelay $0x2  }
0x91: {  	s15 =	simm.s32 $0xA;
	s4 =	simm.s32 $0x10  }
0x92: {  	[smem:s4], [sflag:s15] =	dma.local [hbm:s2], $0x1  }
0x93: {  	_ =	swait.eq [sflag:s15], $0x1  }
0x94: {  	[sflag:s15] =	ssyncset.done $0x0  }
0x95: {  	[sflag:s15] =	ssyncadd.s32 $0xFFFFFFFF  }
0x96: {  	s16 =	sld [smem:$0x10];
	(tm) =	ssettm $0x1  }
0x97: {  	s17 =	sld [smem:$0x3FFB];
	_ =	sdelay $0x3  }
0x98: {  	_ =	strace s17  }
0x99: {  	s3 =	sld [smem:$0x3FFC];
	_ =	sdelay $0x3  }
0x9a: {  	_ =	strace s3  }
0x9b: {  	s3 =	sld [smem:$0x3FFD];
	_ =	sdelay $0x3  }
0x9c: {  	_ =	strace s3  }
0x9d: {  	_ =	strace $0x8FFFFFFF  }
0x9e: {  	s18 =	sld [smem:$0x3FDB];
	_ =	sdelay $0x1  }
0x9f: {  	s19 =	simm.s32 $_scs_section_size  }
0xa0: {  	s5 =	simm.s32 $_size__tile_overlayer_lowered;
	s6 =	simm.s32 $_tile_overlayer_lowered  }
0xa1: {  	s22 =	simm.s32 $0x1BFF;
	s21 =	sshll.u32 s6, $0x1;
	s3 =	sadd.s32 s19, s18  }
0xa2: {  	s7 =	simm.s32 $0x0;
	s20 =	sshll.u32 s5, $0x1;
	s5 =	sadd.s32 s21, s3  }
0xa3: {  	[timem:s7], [sflag:s22] =	dma.local [hbm:s5], s20  }
0xa4: {  	_ =	swait.ge [sflag:s22], s20  }
0xa5: {  	s4 =	ssub.s32 $0x0, s20;
	[sflag:s22] =	ssyncset.done $0x0  }
0xa6: {  	[sflag:s22] =	ssyncadd.s32 s4;
	_ =	sdelay $0x1  }
0xa7: {  	s23 =	simm.s32 $0x1B8B  }
0xa8: {  	_ =	swait.ge [sflag:s23], $0x1  }
0xa9: {  	[sflag:s23] =	ssyncset.done $0x0  }
0xaa: {  	s25 =	simm.s32 $0x1B8E;
	s24 =	sld [smem:$0x3FFE];
	[sflag:s23] =	ssyncadd.s32 $0xFFFFFFFF  }
0xab: {  	s26 =	simm.s32 $execute0_lowered;
	[smem:$0x3FD2] =	sst s25  }
0xac: {  	s5 =	sshll.u32 s26, $0x1;
	_ =	strace $0x80000046;
	[dreg:$0x1] =	wrdreg $0xFFFFFFFF  }
0xad: {  	s28 =	simm.s32 $_size_execute0_lowered;
	s3 =	sadd.s32 s3, s5;
	[dreg:$0x0] =	wrdreg $0x0  }
0xae: {  	s5 =	sshll.u32 s28, $0x1;
	[dreg:$0x2] =	wrdreg s3  }
0xaf: {  	[dreg:$0x3] =	wrdreg s5  }
0xb0: {  	[dreg:$0x4] =	wrdreg $0xC0  }
0xb1: {  	_ =	task [dreg:s7], $0x5FFFF  }
0xb2: {  	[dreg:$0x1] =	wrdreg $0xFFFFFFFF  }
0xb3: {  	[dreg:$0x0] =	wrdreg $0x60  }
0xb4: {  	[dreg:$0x2] =	wrdreg s16  }
0xb5: {  	[dreg:$0x3] =	wrdreg s24  }
0xb6: {  	[dreg:$0x4] =	wrdreg $0x90000  }
0xb7: {  	[dreg:$0x5] =	wrdreg $0x9  }
0xb8: {  	_ =	task.clear_ibuf [dreg:s7], $0x6FFFF;
	_ =	strace $0x90000046  }
0xb9: {  	s29 =	simm.s32 $0x9;
	_ =	strace $0x80000048  }
0xba: {  	_ =	swait.ge [sflag:s29], $0x1  }
0xbb: {  	[sflag:s29] =	ssyncadd.s32 $0xFFFFFFFF  }
0xbc: {  	_ =	strace $0x90000048  }
0xbd: {  	_ =	sfence  }
0xbe: {  	s30 =	sld [smem:$0x0];
	_ =	sdelay $0x2  }
0xbf: {  	s31 =	sshll.u32 s1, $0xD;
	s1 =	sshrl.u32 s1, $0x2  }
0xc0: {  	s3 =	sand.u32 $0x4000, s31;
	s1 =	sadd.s32 s1, s30  }
0xc1: {  	s0 =	sor.u32 s3, s0;
	s1 =	sshll.u32 s1, $0x11  }
0xc2: {  	s0 =	sor.u32 s1, s0  }
0xc3: {  	s0 =	sadd.s32 $0x8F2B, s0  }
0xc4: {  	[sflag:s0] =	ssyncadd.remote.s32 $0x1  }
0xc5: {  	_ =	sfence.sel $0xFFFF  }
0xc6: {  	[dreg:$0x0] =	wrdreg $0xFFFFFFFF;
	(pc) =	sbr.abs _section_cstart, $3  }
0xc7: {  	[dreg:$0x1] =	wrdreg $0xFFFFFFFF  }
0xc8: {  	_ =	task.clear_ibuf [dreg:s7], $0x2FFFF;
	_ =	strace $0x9FFFFFFF  }
0xc9: {  	(tm) =	ssettm $0x7FFFFFFF  }
tec
execute0_lowered:
.L_overlay_start_1:
0x0: {  	(tag) =	ssettag $0x1  }
0x1: {  	s2 =	rddreg [dreg:$0x0]  }
0x2: {  	s1 =	srdreg.scid;
	s6 =	rddreg [dreg:$0x1]  }
0x3: {  	s0 =	stileid.u32;
	s3 =	rddreg [dreg:$0x2];
	s4 =	simm.s32 $0x0  }
0x4: {  	s14 =	simm.s32 $0x5000;
	s15 =	simm.s32 $0x2;
	s16 =	simm.s32 $0x2800  }
0x5: {  	s17 =	simm.s32 $0x80;
	s18 =	simm.s32 $0x1;
	s21 =	simm.s32 $0x0  }
0x6: {  	s5 =	sand.u32 $0x1, s1;
	s26 =	sshll.u32 s0, $0x1;
	s9 =	smul.u32 $0x14000, s0  }
0x7: {  	[smem:$0x7FF] =	sst s4;
	s10 =	smul.u32 $0x50000, s0;
	s19 =	sshll.u32 s0, $0x6  }
0x8: {  	s1 =	sor.u32 s5, s26;
	s8 =	smul.u32 $0x140000, s5;
	s29 =	ssub.s32 $0x2, s5  }
0x9: {  	s19 =	sor.u32 $0x1C02, s19;
	s7 =	smul.u32 $0x500, s1;
	s1 =	rddreg [dreg:$0x3]  }
0xa: {  	_ =	strace $0x80000047;
	s30 =	sshrl.u32 s10, $0x2;
	s31 =	sshrl.u32 s29, $0x1  }
0xb: {  	s28 =	sadd.s32 s9, s8;
	s5 =	sadd.s32 s30, s3;
	s13 =	ssub.s32 s29, s31  }
0xc: {  	s11 =	sadd.s32 s7, s6;
	s7 =	sshrl.u32 s28, $0x3;
	s8 =	sadd.s32 $0xC000, s5  }
0xd: {  	s9 =	sadd.s32 $0x10000, s5;
	s13 =	smax.u32 s13, $0x1;
	s20 =	sshrl.u32 s5, $0x3  }
0xe: {  	s12 =	sadd.s32 s7, s6;
	s6 =	sadd.s32 $0x4000, s5;
	s7 =	sadd.s32 $0x8000, s5  }
0xf: {  	v0 =	vimm.f32 $0.0e+00;
	s10 =	sadd.s32 $0x3A00, s11;
	s11 =	sadd.s32 $0xDA00, s11;
	s12 =	sadd.s32 $0x17A00, s12  }
.LBB2_1:
0x10: {  	s22 =	simm.s32 $0x10;
	s23 =	sand.u32 $0x3FF0, s4  }
.LBB2_2:
0x11: {  	p0 =	sne.s32 s22, $0x3FF0;
	[tilespmem:s23+$0x5000] =	vst v0;
	s23 =	smov.u32 s22;
	s22 =	sadd.s32 $0x10, s22  }
.Ltmp0:
0x12: {  	(pc) =	sbr.rel @p0 .LBB2_2-.Ltmp0, $2  }
0x13: {  	_ =	sdelay $0x2  }
0x14: {  	s23 =	sand.u32 $0x3FF0, s23  }
0x15: {  	[tilespmem:s23+$0x5000] =	vst v0  }
0x16: {  	[spmem:s5] =	stream.linear.scatter [tilespmem:s14], [sflag:$0x2], $0x4000, $0x38;
	[tilespmem:$0x1D000] =	vst v63  }
0x17: {  	_ =	swait.ge [sflag:s15], $0x4000  }
0x18: {  	[sflag:s15] =	ssyncset.done $0x0  }
0x19: {  	[sflag:s15] =	ssyncadd.s32 $0xFFFFC000  }
0x1a: {  	[spmem:s6] =	stream.linear.scatter [tilespmem:s14], [sflag:$0x2], $0x4000, $0x38;
	[tilespmem:$0x1D000] =	vst v63  }
0x1b: {  	_ =	swait.ge [sflag:s15], $0x4000  }
0x1c: {  	[sflag:s15] =	ssyncset.done $0x0  }
0x1d: {  	[sflag:s15] =	ssyncadd.s32 $0xFFFFC000  }
0x1e: {  	[spmem:s7] =	stream.linear.scatter [tilespmem:s14], [sflag:$0x2], $0x4000, $0x38;
	[tilespmem:$0x1D000] =	vst v63  }
0x1f: {  	_ =	swait.ge [sflag:s15], $0x4000  }
0x20: {  	[sflag:s15] =	ssyncset.done $0x0  }
0x21: {  	[sflag:s15] =	ssyncadd.s32 $0xFFFFC000  }
0x22: {  	[spmem:s8] =	stream.linear.scatter [tilespmem:s14], [sflag:$0x2], $0x4000, $0x38;
	[tilespmem:$0x1D000] =	vst v63  }
0x23: {  	_ =	swait.ge [sflag:s15], $0x4000  }
0x24: {  	[sflag:s15] =	ssyncset.done $0x0  }
0x25: {  	[sflag:s15] =	ssyncadd.s32 $0xFFFFC000  }
0x26: {  	[spmem:s9] =	stream.linear.scatter [tilespmem:s14], [sflag:$0x2], $0x4000, $0x38;
	[tilespmem:$0x1D000] =	vst v63  }
0x27: {  	_ =	swait.ge [sflag:s15], $0x4000  }
0x28: {  	[sflag:s15] =	ssyncset.done $0x0  }
0x29: {  	s22 =	simm.s32 $0x0;
	[sflag:s15] =	ssyncadd.s32 $0xFFFFC000  }
0x2a: {  	[tilespmem:s22], [sflag:$0x2] =	stream.linear.gather [hbm4b:s10+s22], $0x2780, $0x38;
	[tilespmem:$0x1D000] =	vst v63  }
0x2b: {  	_ =	swait.ge [sflag:s15], $0x2780  }
0x2c: {  	[sflag:s15] =	ssyncset.done $0x0  }
0x2d: {  	[sflag:s15] =	ssyncadd.s32 $0xFFFFD880  }
0x2e: {  	[tilespmem:s16], [sflag:$0x2] =	stream.linear.gather [hbm4b:s11+s22], $0x2780, $0x38;
	[tilespmem:$0x1D000] =	vst v63  }
0x2f: {  	_ =	swait.ge [sflag:s15], $0x2780  }
0x30: {  	[sflag:s15] =	ssyncset.done $0x0  }
0x31: {  	[sflag:s15] =	ssyncadd.s32 $0xFFFFD880  }
0x32: {  	s30 =	simm.s32 $0x0;
	[bflag:$0x0] =	sbarrier.arrive $0xFFFF  }
0x33: {  	[tilespmem:s14], [sflag:$0x1] =	stream.indirect.gather [hbm4b:s2+s17], $0x80, s30, s17, $0xb8;
	[tilespmem:$0x1D000] =	vst v63  }
0x34: {  	_ =	swait.ge [sflag:s18], $0x4000  }
0x35: {  	[sflag:s18] =	ssyncset.done $0x0  }
0x36: {  	s31 =	simm.s32 $0x2800;
	[sflag:s18] =	ssyncadd.s32 $0xFFFFC000  }
0x37: {  	[spmem:s3] =	stream.indirect.scatter.add.f32 [tilespmem:s14], [sflag:$0x2], $0x80, s31, s17, $0xb8;
	[tilespmem:$0x1D000] =	vst v63  }
0x38: {  	_ =	swait.ge [sflag:s15], $0x4000  }
0x39: {  	s23 =	simm.s32 $0x400;
	s22 =	simm.s32 $0x200;
	[sflag:s15] =	ssyncset.done $0x0  }
.LBB2_4:
0x3a: {  	s24 =	sshra.s32 s22, $0x2  }
0x3b: {  	[sflag:s15] =	ssyncadd.s32 $0xFFFFC000;
	s22 =	smov.u32 s23;
	s25 =	sadd.s32 $0x200, s23  }
0x3c: {  	[tilespmem:s14], [sflag:$0x1] =	stream.indirect.gather [hbm4b:s2+s17], $0x80, s24, s17, $0xb8;
	[tilespmem:$0x1D000] =	vst v63  }
0x3d: {  	p0 =	sne.s32 s23, $0x9C00;
	_ =	swait.ge [sflag:s18], $0x4000  }
.Ltmp1:
0x3e: {  	[sflag:s18] =	ssyncset.done $0x0;
	(pc) =	sbr.rel @p0 .LBB2_4-.Ltmp1, $4  }
0x3f: {  	s23 =	sadd.s32 $0x2800, s24;
	[sflag:s18] =	ssyncadd.s32 $0xFFFFC000  }
0x40: {  	[spmem:s3] =	stream.indirect.scatter.add.f32 [tilespmem:s14], [sflag:$0x2], $0x80, s23, s17, $0xb8;
	[tilespmem:$0x1D000] =	vst v63  }
0x41: {  	_ =	swait.ge [sflag:s15], $0x4000  }
0x42: {  	s23 =	smov.u32 s25;
	[sflag:s15] =	ssyncset.done $0x0  }
0x43: {  	s22 =	sshra.s32 s22, $0x2;
	[sflag:s15] =	ssyncadd.s32 $0xFFFFC000  }
0x44: {  	[tilespmem:s14], [sflag:$0x1] =	stream.indirect.gather [hbm4b:s2+s17], $0x80, s22, s17, $0xb8;
	[tilespmem:$0x1D000] =	vst v63  }
0x45: {  	_ =	swait.ge [sflag:s18], $0x4000  }
0x46: {  	[sflag:s18] =	ssyncset.done $0x0  }
0x47: {  	s22 =	sadd.s32 $0x2800, s22;
	[sflag:s18] =	ssyncadd.s32 $0xFFFFC000  }
0x48: {  	[spmem:s3] =	stream.indirect.scatter.add.f32 [tilespmem:s14], [sflag:$0x2], $0x80, s22, s17, $0xb8;
	[tilespmem:$0x1D000] =	vst v63  }
0x49: {  	_ =	swait.ge [sflag:s15], $0x4000  }
0x4a: {  	s21 =	sadd.s32 $0x1, s21;
	[sflag:s15] =	ssyncset.done $0x0  }
0x4b: {  	p0 =	sne.s32 s21, s13;
	[sflag:s15] =	ssyncadd.s32 $0xFFFFC000  }
.Ltmp2:
0x4c: {  	[bflag:$0x0] =	sbarrier.arrive $0xFFFF;
	(pc) =	sbr.rel @p0 .LBB2_1-.Ltmp2, $4  }
0x4d: {  	[hbm:s12], [sflag:s19] =	dma.local [spmem:s20], $0x2800  }
0x4e: {  	_ =	swait.ge [sflag:s15], $0x2800  }
0x4f: {  	[sflag:s15] =	ssyncset.done $0x0  }
0x50: {  	[sflag:s15] =	ssyncadd.s32 $0xFFFFD800  }
0x51: {  	_ =	sfence.sel $0x180000  }
0x52: {  	[bflag:$0x0] =	sbarrier.arrive $0xFFFF  }
0x53: {  	p0 =	sne.s32 s0, $0x0;
	_ =	strace $0x90000047  }
0x54: {  	s0 =	sadd.s32 @!p0 $0x100000, s1;
	[bflag:$0x2] =	sbarrier.arrive $0xFFFF  }
0x55: {  	[sflag:s0] =	ssyncadd.tile.s32 @!p0 $0x1;
	_ =	shalt  }
.Lfunc_end2:
_tile_overlayer_lowered:
.L_overlay_start_2:
0x56: {  	(tag) =	ssettag $0x2  }
0x57: {  	s0 =	rddreg [dreg:$0x0];
	s2 =	stileid.u32  }
0x58: {  	s1 =	rddreg [dreg:$0x1];
	p0 =	sne.s32 s2, $0x0  }
0x59: {  	s3 =	rddreg [dreg:$0x2];
	[bflag:$0x3] =	sbarrier.arrive $0xFFFF;
	s2 =	simm.s32 @!p0 $0x1C02  }
0x5a: {  	[timem:s3], [sflag:s2] =	dma.local @!p0 [hbm:s0], s1  }
0x5b: {  	s0 =	simm.s32 @!p0 $0x2  }
0x5c: {  	_ =	swait.ge @!p0 [sflag:s0], s1  }
0x5d: {  	s1 =	ssub.s32 @!p0 $0x0, s1;
	[sflag:s0] =	ssyncset.done @!p0 $0x0  }
0x5e: {  	[sflag:s0] =	ssyncadd.s32 @!p0 s1  }
0x5f: {  	[bflag:$0x3] =	sbarrier.arrive $0xFFFF  }
0x60: {  	_ =	shalt  }

// kernel: kernel.18.cloned.1.call-start
scs
__scs_entry_jumppad:
0x0: {  	(pc) =	sbr.rel $0x88, $3  }
0x1: {  	(tag) =	ssettag $0x0;
	lr =	simm.s32 $0x1  }
0x2: {  	[smem:$0x3F90] =	sst lr;
	_ =	strace $0xD0000000  }
0x3: {  	_ = 	snop  }
0x4: {  	_ = 	snop  }
0x5: {  	_ = 	snop  }
0x6: {  	_ = 	snop  }
0x7: {  	_ = 	snop  }
__scs_overlays_trampoline_lowered:
0x8: {  	[smem:$0x3F9F] =	sst s0  }
0x9: {  	[smem:$0x3FA0] =	sst s1  }
0xa: {  	[smem:$0x3FA1] =	sst s2  }
0xb: {  	[smem:$0x3FA2] =	sst s3  }
0xc: {  	[smem:$0x3FA3] =	sst s4  }
0xd: {  	[smem:$0x3FA4] =	sst s5  }
0xe: {  	[smem:$0x3FA5] =	sst s6  }
0xf: {  	[smem:$0x3FA6] =	sst s7  }
0x10: {  	[smem:$0x3FA7] =	sst s8  }
0x11: {  	[smem:$0x3FA8] =	sst s9;
	s0 =	simm.s32 @!p0 $0x0  }
0x12: {  	s1 =	sld [smem:$0x3F8E];
	s0 =	simm.s32 @p0 $0x1  }
0x13: {  	[smem:$0x3FA9] =	sst s0;
	s0 =	simm.s32 @!p1 $0x0  }
0x14: {  	s2 =	sld [smem:$0x3F8D];
	s0 =	simm.s32 @p1 $0x1  }
0x15: {  	[smem:$0x3FAA] =	sst s0;
	s0 =	simm.s32 @!p2 $0x0  }
0x16: {  	s3 =	sld [smem:$0x3FDB];
	s0 =	simm.s32 @p2 $0x1  }
0x17: {  	s4 =	simm.s32 $0x1BF5;
	[smem:$0x3FAC] =	sst s0  }
0x18: {  	s0 =	sld [smem:$0x3F8F];
	_ =	swait.ge [sflag:s4], $0x0  }
0x19: {  	s7 =	sld [smem:$0x3F90]  }
0x1a: {  	s8 =	sadd.s32 $0xFFFFE003, lr  }
0x1b: {  	s9 =	sadd.s32 $0xFFFFFEF7, lr;
	s5 =	simm.s32 $0xFFFFFFFF;
	p2 =	slt.u32 s8, $0xFFFFF086  }
0x1c: {  	p1 =	slt.u32 s9, $0xF7A;
	s5 =	simm.s32 @!p2 $0x0  }
0x1d: {  	s5 =	simm.s32 @p1 $0x1;
	p0 =	seq.s32 s7, s2  }
0x1e: {  	s7 =	smul.u32 @!p0 $0xF7A, s2;
	p2 =	seq.s32 @!p0 s5, $0x0  }
0x1f: {  	s9 =	smul.u32 $0xF7A, s1;
	s8 =	simm.s32 @!p0 $0x1BF5;
	p2 =	por !p2, p0  }
0x20: {  	[sflag:s8] =	ssyncset.s32 @!p0 $0xFFFFF086;
	s6 =	sadd.s32 @!p0 s3, s7;
	s7 =	simm.s32 @!p0 $0x108  }
0x21: {  	s3 =	sadd.s32 s3, s9;
	s6 =	sadd.s32 @!p0 $0x88, s6;
	s7 =	simm.s32 @p2 $0x1082  }
0x22: {  	[simem:s7], [sflag:s8] =	dma.local @!p0 [hbm:s6], $0xF7A  }
0x23: {  	s9 =	sor.u32 $0xD0000000, s2;
	s6 =	simm.s32 $0x108;
	_ =	swait.ge @!p0 [sflag:s8], $0x0  }
0x24: {  	s3 =	sadd.s32 $0x88, s3;
	s6 =	simm.s32 @!p1 $0x1082;
	[sflag:s4] =	ssyncset.s32 $0xFFFFF086  }
0x25: {  	[simem:s6], [sflag:s4] =	dma.local [hbm:s3], $0xF7A  }
0x26: {  	[smem:$0x3F90] =	sst s1;
	(tag) =	ssettag s2;
	_ =	strace s9  }
0x27: {  	s1 =	sld [smem:$0x3FA0]  }
0x28: {  	s2 =	sld [smem:$0x3FA1]  }
0x29: {  	s4 =	sld [smem:$0x3FA3]  }
0x2a: {  	p0 =	seq.s32 s5, $0x0;
	s5 =	sld [smem:$0x3FA4]  }
0x2b: {  	s6 =	sld [smem:$0x3FA5]  }
0x2c: {  	s7 =	sld [smem:$0x3FA6]  }
0x2d: {  	s3 =	simm.s32 $0x108;
	s8 =	sld [smem:$0x3FA7]  }
0x2e: {  	s3 =	simm.s32 @!p0 $0x1082;
	s9 =	sld [smem:$0x3FA8]  }
0x2f: {  	lr =	sadd.s32 s0, s3;
	s0 =	sld [smem:$0x3F9F]  }
0x30: {  	s3 =	sld [smem:$0x3FA2]  }
0x31: {  	[smem:$0x3FAB] =	sst s10  }
0x32: {  	s10 =	sld [smem:$0x3FA9];
	_ =	sdelay $0x3  }
0x33: {  	p0 =	seq.s32 s10, $0x1;
	s10 =	sld [smem:$0x3FAB];
	_ =	sdelay $0x3  }
0x34: {  	[smem:$0x3FAB] =	sst s10  }
0x35: {  	s10 =	sld [smem:$0x3FAA];
	_ =	sdelay $0x3  }
0x36: {  	p1 =	seq.s32 s10, $0x1;
	s10 =	sld [smem:$0x3FAB];
	_ =	sdelay $0x3  }
0x37: {  	[smem:$0x3FAB] =	sst s10  }
0x38: {  	s10 =	sld [smem:$0x3FAC]  }
0x39: {  	_ = 	snop;
	(pc) =	sbr.ind lr, $3  }
0x3a: {  	_ = 	snop  }
0x3b: {  	_ = 	snop  }
0x3c: {  	p2 =	seq.s32 s10, $0x1;
	s10 =	sld [smem:$0x3FAB]  }
0x3d: {  	_ =	shalt  }
0x3e: {  	_ =	shalt  }
0x3f: {  	_ =	shalt  }
0x40: {  	_ =	shalt  }
0x41: {  	_ =	shalt  }
0x42: {  	_ =	shalt  }
0x43: {  	_ =	shalt  }
0x44: {  	_ =	shalt  }
0x45: {  	_ =	shalt  }
0x46: {  	_ =	shalt  }
0x47: {  	_ =	shalt  }
0x48: {  	_ =	shalt  }
0x49: {  	_ =	shalt  }
0x4a: {  	_ =	shalt  }
0x4b: {  	_ =	shalt  }
0x4c: {  	_ =	shalt  }
0x4d: {  	_ =	shalt  }
0x4e: {  	_ =	shalt  }
0x4f: {  	_ =	shalt  }
0x50: {  	_ =	shalt  }
0x51: {  	_ =	shalt  }
0x52: {  	_ =	shalt  }
0x53: {  	_ =	shalt  }
0x54: {  	_ =	shalt  }
0x55: {  	_ =	shalt  }
0x56: {  	_ =	shalt  }
0x57: {  	_ =	shalt  }
0x58: {  	_ =	shalt  }
0x59: {  	_ =	shalt  }
0x5a: {  	_ =	shalt  }
0x5b: {  	_ =	shalt  }
0x5c: {  	_ =	shalt  }
0x5d: {  	_ =	shalt  }
0x5e: {  	_ =	shalt  }
0x5f: {  	_ =	shalt  }
0x60: {  	_ =	shalt  }
0x61: {  	_ =	shalt  }
0x62: {  	_ =	shalt  }
0x63: {  	_ =	shalt  }
0x64: {  	_ =	shalt  }
0x65: {  	_ =	shalt  }
0x66: {  	_ =	shalt  }
0x67: {  	_ =	shalt  }
0x68: {  	_ =	shalt  }
0x69: {  	_ =	shalt  }
0x6a: {  	_ =	shalt  }
0x6b: {  	_ =	shalt  }
0x6c: {  	_ =	shalt  }
0x6d: {  	_ =	shalt  }
0x6e: {  	_ =	shalt  }
0x6f: {  	_ =	shalt  }
0x70: {  	_ =	shalt  }
0x71: {  	_ =	shalt  }
0x72: {  	_ =	shalt  }
0x73: {  	_ =	shalt  }
0x74: {  	_ =	shalt  }
0x75: {  	_ =	shalt  }
0x76: {  	_ =	shalt  }
0x77: {  	_ =	shalt  }
0x78: {  	_ =	shalt  }
0x79: {  	_ =	shalt  }
0x7a: {  	_ =	shalt  }
0x7b: {  	_ =	shalt  }
0x7c: {  	_ =	shalt  }
0x7d: {  	_ =	shalt  }
0x7e: {  	_ =	shalt  }
0x7f: {  	_ =	shalt  }
0x80: {  	_ =	shalt  }
0x81: {  	_ =	shalt  }
0x82: {  	_ =	shalt  }
0x83: {  	_ =	shalt  }
0x84: {  	_ =	shalt  }
0x85: {  	_ =	shalt  }
0x86: {  	_ =	shalt  }
0x87: {  	_ =	shalt  }
.Lfunc_end0:
.L_simem_size_0:
called_computation.1_lowered:
.L_overlay_start_0:
0x88: {  	s2 =	sld [smem:$0x3FD9]  }
0x89: {  	s3 =	sld [smem:$0x3FFE];
	_ =	sdelay $0x1  }
0x8a: {  	s1 =	srdreg.scid  }
0x8b: {  	s0 =	sand.u32 $0x1, s1  }
0x8c: {  	s14 =	sshll.u32 s0, $0xA;
	s2 =	sadd.s32 s3, s2  }
0x8d: {  	s2 =	sadd.s32 s2, s14  }
0x8e: {  	[smem:$0x3FB7] =	sst s2  }
0x8f: {  	_ = 	snop  }
0x90: {  	s2 =	sld [smem:$0x3FD0];
	_ =	sdelay $0x2  }
0x91: {  	s15 =	simm.s32 $0xA;
	s4 =	simm.s32 $0x10  }
0x92: {  	[smem:s4], [sflag:s15] =	dma.local [hbm:s2], $0x1  }
0x93: {  	_ =	swait.eq [sflag:s15], $0x1  }
0x94: {  	[sflag:s15] =	ssyncset.done $0x0  }
0x95: {  	[sflag:s15] =	ssyncadd.s32 $0xFFFFFFFF  }
0x96: {  	s16 =	sld [smem:$0x10];
	(tm) =	ssettm $0x1  }
0x97: {  	s17 =	sld [smem:$0x3FFB];
	_ =	sdelay $0x3  }
0x98: {  	_ =	strace s17  }
0x99: {  	s3 =	sld [smem:$0x3FFC];
	_ =	sdelay $0x3  }
0x9a: {  	_ =	strace s3  }
0x9b: {  	s3 =	sld [smem:$0x3FFD];
	_ =	sdelay $0x3  }
0x9c: {  	_ =	strace s3  }
0x9d: {  	_ =	strace $0x8FFFFFFF  }
0x9e: {  	s18 =	sld [smem:$0x3FDB];
	_ =	sdelay $0x1  }
0x9f: {  	s19 =	simm.s32 $_scs_section_size  }
0xa0: {  	s5 =	simm.s32 $_size__tile_overlayer_lowered;
	s6 =	simm.s32 $_tile_overlayer_lowered  }
0xa1: {  	s22 =	simm.s32 $0x1BFF;
	s21 =	sshll.u32 s6, $0x1;
	s3 =	sadd.s32 s19, s18  }
0xa2: {  	s7 =	simm.s32 $0x0;
	s20 =	sshll.u32 s5, $0x1;
	s5 =	sadd.s32 s21, s3  }
0xa3: {  	[timem:s7], [sflag:s22] =	dma.local [hbm:s5], s20  }
0xa4: {  	_ =	swait.ge [sflag:s22], s20  }
0xa5: {  	s4 =	ssub.s32 $0x0, s20;
	[sflag:s22] =	ssyncset.done $0x0  }
0xa6: {  	[sflag:s22] =	ssyncadd.s32 s4;
	_ =	sdelay $0x1  }
0xa7: {  	s23 =	simm.s32 $0x1B8B  }
0xa8: {  	_ =	swait.ge [sflag:s23], $0x1  }
0xa9: {  	[sflag:s23] =	ssyncset.done $0x0  }
0xaa: {  	s25 =	simm.s32 $0x1B8E;
	s24 =	sld [smem:$0x3FFE];
	[sflag:s23] =	ssyncadd.s32 $0xFFFFFFFF  }
0xab: {  	s26 =	simm.s32 $execute0_lowered;
	[smem:$0x3FD2] =	sst s25  }
0xac: {  	s5 =	sshll.u32 s26, $0x1;
	_ =	strace $0x80000049;
	[dreg:$0x1] =	wrdreg $0xFFFFFFFF  }
0xad: {  	s28 =	simm.s32 $_size_execute0_lowered;
	s3 =	sadd.s32 s3, s5;
	[dreg:$0x0] =	wrdreg $0x0  }
0xae: {  	s5 =	sshll.u32 s28, $0x1;
	[dreg:$0x2] =	wrdreg s3  }
0xaf: {  	[dreg:$0x3] =	wrdreg s5  }
0xb0: {  	[dreg:$0x4] =	wrdreg $0xC0  }
0xb1: {  	_ =	task [dreg:s7], $0x5FFFF  }
0xb2: {  	[dreg:$0x1] =	wrdreg $0xFFFFFFFF  }
0xb3: {  	[dreg:$0x0] =	wrdreg $0x60  }
0xb4: {  	[dreg:$0x2] =	wrdreg s16  }
0xb5: {  	[dreg:$0x3] =	wrdreg s24  }
0xb6: {  	[dreg:$0x4] =	wrdreg $0x90000  }
0xb7: {  	[dreg:$0x5] =	wrdreg $0x9  }
0xb8: {  	_ =	task.clear_ibuf [dreg:s7], $0x6FFFF;
	_ =	strace $0x90000049  }
0xb9: {  	s29 =	simm.s32 $0x9;
	_ =	strace $0x8000004B  }
0xba: {  	_ =	swait.ge [sflag:s29], $0x1  }
0xbb: {  	[sflag:s29] =	ssyncadd.s32 $0xFFFFFFFF  }
0xbc: {  	_ =	strace $0x9000004B  }
0xbd: {  	_ =	sfence  }
0xbe: {  	s30 =	sld [smem:$0x0];
	_ =	sdelay $0x2  }
0xbf: {  	s31 =	sshll.u32 s1, $0xD;
	s1 =	sshrl.u32 s1, $0x2  }
0xc0: {  	s3 =	sand.u32 $0x4000, s31;
	s1 =	sadd.s32 s1, s30  }
0xc1: {  	s0 =	sor.u32 s3, s0;
	s1 =	sshll.u32 s1, $0x11  }
0xc2: {  	s0 =	sor.u32 s1, s0  }
0xc3: {  	s0 =	sadd.s32 $0x8F2B, s0  }
0xc4: {  	[sflag:s0] =	ssyncadd.remote.s32 $0x1  }
0xc5: {  	_ =	sfence.sel $0xFFFF  }
0xc6: {  	[dreg:$0x0] =	wrdreg $0xFFFFFFFF;
	(pc) =	sbr.abs _section_cstart, $3  }
0xc7: {  	[dreg:$0x1] =	wrdreg $0xFFFFFFFF  }
0xc8: {  	_ =	task.clear_ibuf [dreg:s7], $0x2FFFF;
	_ =	strace $0x9FFFFFFF  }
0xc9: {  	(tm) =	ssettm $0x7FFFFFFF  }
tec
execute0_lowered:
.L_overlay_start_1:
0x0: {  	(tag) =	ssettag $0x1  }
0x1: {  	s2 =	rddreg [dreg:$0x0]  }
0x2: {  	s1 =	srdreg.scid;
	s6 =	rddreg [dreg:$0x1]  }
0x3: {  	s0 =	stileid.u32;
	s3 =	rddreg [dreg:$0x2];
	s4 =	simm.s32 $0x0  }
0x4: {  	s14 =	simm.s32 $0x5000;
	s15 =	simm.s32 $0x2;
	s16 =	simm.s32 $0x2800  }
0x5: {  	s17 =	simm.s32 $0x80;
	s18 =	simm.s32 $0x1;
	s21 =	simm.s32 $0x0  }
0x6: {  	s5 =	sand.u32 $0x1, s1;
	s26 =	sshll.u32 s0, $0x1;
	s9 =	smul.u32 $0x14000, s0  }
0x7: {  	[smem:$0x7FF] =	sst s4;
	s10 =	smul.u32 $0x50000, s0;
	s19 =	sshll.u32 s0, $0x6  }
0x8: {  	s1 =	sor.u32 s5, s26;
	s8 =	smul.u32 $0x140000, s5;
	s29 =	ssub.s32 $0x2, s5  }
0x9: {  	s19 =	sor.u32 $0x1C02, s19;
	s7 =	smul.u32 $0x500, s1;
	s1 =	rddreg [dreg:$0x3]  }
0xa: {  	_ =	strace $0x8000004A;
	s30 =	sshrl.u32 s10, $0x2;
	s31 =	sshrl.u32 s29, $0x1  }
0xb: {  	s28 =	sadd.s32 s9, s8;
	s5 =	sadd.s32 s30, s3;
	s13 =	ssub.s32 s29, s31  }
0xc: {  	s11 =	sadd.s32 s7, s6;
	s7 =	sshrl.u32 s28, $0x3;
	s8 =	sadd.s32 $0xC000, s5  }
0xd: {  	s9 =	sadd.s32 $0x10000, s5;
	s13 =	smax.u32 s13, $0x1;
	s20 =	sshrl.u32 s5, $0x3  }
0xe: {  	s12 =	sadd.s32 s7, s6;
	s6 =	sadd.s32 $0x4000, s5;
	s7 =	sadd.s32 $0x8000, s5  }
0xf: {  	v0 =	vimm.f32 $0.0e+00;
	s10 =	sadd.s32 $0x3A00, s11;
	s11 =	sadd.s32 $0xDA00, s11;
	s12 =	sadd.s32 $0x17A00, s12  }
.LBB2_1:
0x10: {  	s22 =	simm.s32 $0x10;
	s23 =	sand.u32 $0x3FF0, s4  }
.LBB2_2:
0x11: {  	p0 =	sne.s32 s22, $0x3FF0;
	[tilespmem:s23+$0x5000] =	vst v0;
	s23 =	smov.u32 s22;
	s22 =	sadd.s32 $0x10, s22  }
.Ltmp0:
0x12: {  	(pc) =	sbr.rel @p0 .LBB2_2-.Ltmp0, $2  }
0x13: {  	_ =	sdelay $0x2  }
0x14: {  	s23 =	sand.u32 $0x3FF0, s23  }
0x15: {  	[tilespmem:s23+$0x5000] =	vst v0  }
0x16: {  	[spmem:s5] =	stream.linear.scatter [tilespmem:s14], [sflag:$0x2], $0x4000, $0x38;
	[tilespmem:$0x1D000] =	vst v63  }
0x17: {  	_ =	swait.ge [sflag:s15], $0x4000  }
0x18: {  	[sflag:s15] =	ssyncset.done $0x0  }
0x19: {  	[sflag:s15] =	ssyncadd.s32 $0xFFFFC000  }
0x1a: {  	[spmem:s6] =	stream.linear.scatter [tilespmem:s14], [sflag:$0x2], $0x4000, $0x38;
	[tilespmem:$0x1D000] =	vst v63  }
0x1b: {  	_ =	swait.ge [sflag:s15], $0x4000  }
0x1c: {  	[sflag:s15] =	ssyncset.done $0x0  }
0x1d: {  	[sflag:s15] =	ssyncadd.s32 $0xFFFFC000  }
0x1e: {  	[spmem:s7] =	stream.linear.scatter [tilespmem:s14], [sflag:$0x2], $0x4000, $0x38;
	[tilespmem:$0x1D000] =	vst v63  }
0x1f: {  	_ =	swait.ge [sflag:s15], $0x4000  }
0x20: {  	[sflag:s15] =	ssyncset.done $0x0  }
0x21: {  	[sflag:s15] =	ssyncadd.s32 $0xFFFFC000  }
0x22: {  	[spmem:s8] =	stream.linear.scatter [tilespmem:s14], [sflag:$0x2], $0x4000, $0x38;
	[tilespmem:$0x1D000] =	vst v63  }
0x23: {  	_ =	swait.ge [sflag:s15], $0x4000  }
0x24: {  	[sflag:s15] =	ssyncset.done $0x0  }
0x25: {  	[sflag:s15] =	ssyncadd.s32 $0xFFFFC000  }
0x26: {  	[spmem:s9] =	stream.linear.scatter [tilespmem:s14], [sflag:$0x2], $0x4000, $0x38;
	[tilespmem:$0x1D000] =	vst v63  }
0x27: {  	_ =	swait.ge [sflag:s15], $0x4000  }
0x28: {  	[sflag:s15] =	ssyncset.done $0x0  }
0x29: {  	s22 =	simm.s32 $0x0;
	[sflag:s15] =	ssyncadd.s32 $0xFFFFC000  }
0x2a: {  	[tilespmem:s22], [sflag:$0x2] =	stream.linear.gather [hbm4b:s10+s22], $0x2780, $0x38;
	[tilespmem:$0x1D000] =	vst v63  }
0x2b: {  	_ =	swait.ge [sflag:s15], $0x2780  }
0x2c: {  	[sflag:s15] =	ssyncset.done $0x0  }
0x2d: {  	[sflag:s15] =	ssyncadd.s32 $0xFFFFD880  }
0x2e: {  	[tilespmem:s16], [sflag:$0x2] =	stream.linear.gather [hbm4b:s11+s22], $0x2780, $0x38;
	[tilespmem:$0x1D000] =	vst v63  }
0x2f: {  	_ =	swait.ge [sflag:s15], $0x2780  }
0x30: {  	[sflag:s15] =	ssyncset.done $0x0  }
0x31: {  	[sflag:s15] =	ssyncadd.s32 $0xFFFFD880  }
0x32: {  	s30 =	simm.s32 $0x0;
	[bflag:$0x0] =	sbarrier.arrive $0xFFFF  }
0x33: {  	[tilespmem:s14], [sflag:$0x1] =	stream.indirect.gather [hbm4b:s2+s17], $0x80, s30, s17, $0xb8;
	[tilespmem:$0x1D000] =	vst v63  }
0x34: {  	_ =	swait.ge [sflag:s18], $0x4000  }
0x35: {  	[sflag:s18] =	ssyncset.done $0x0  }
0x36: {  	s31 =	simm.s32 $0x2800;
	[sflag:s18] =	ssyncadd.s32 $0xFFFFC000  }
0x37: {  	[spmem:s3] =	stream.indirect.scatter.add.f32 [tilespmem:s14], [sflag:$0x2], $0x80, s31, s17, $0xb8;
	[tilespmem:$0x1D000] =	vst v63  }
0x38: {  	_ =	swait.ge [sflag:s15], $0x4000  }
0x39: {  	s23 =	simm.s32 $0x400;
	s22 =	simm.s32 $0x200;
	[sflag:s15] =	ssyncset.done $0x0  }
.LBB2_4:
0x3a: {  	s24 =	sshra.s32 s22, $0x2  }
0x3b: {  	[sflag:s15] =	ssyncadd.s32 $0xFFFFC000;
	s22 =	smov.u32 s23;
	s25 =	sadd.s32 $0x200, s23  }
0x3c: {  	[tilespmem:s14], [sflag:$0x1] =	stream.indirect.gather [hbm4b:s2+s17], $0x80, s24, s17, $0xb8;
	[tilespmem:$0x1D000] =	vst v63  }
0x3d: {  	p0 =	sne.s32 s23, $0x9C00;
	_ =	swait.ge [sflag:s18], $0x4000  }
.Ltmp1:
0x3e: {  	[sflag:s18] =	ssyncset.done $0x0;
	(pc) =	sbr.rel @p0 .LBB2_4-.Ltmp1, $4  }
0x3f: {  	s23 =	sadd.s32 $0x2800, s24;
	[sflag:s18] =	ssyncadd.s32 $0xFFFFC000  }
0x40: {  	[spmem:s3] =	stream.indirect.scatter.add.f32 [tilespmem:s14], [sflag:$0x2], $0x80, s23, s17, $0xb8;
	[tilespmem:$0x1D000] =	vst v63  }
0x41: {  	_ =	swait.ge [sflag:s15], $0x4000  }
0x42: {  	s23 =	smov.u32 s25;
	[sflag:s15] =	ssyncset.done $0x0  }
0x43: {  	s22 =	sshra.s32 s22, $0x2;
	[sflag:s15] =	ssyncadd.s32 $0xFFFFC000  }
0x44: {  	[tilespmem:s14], [sflag:$0x1] =	stream.indirect.gather [hbm4b:s2+s17], $0x80, s22, s17, $0xb8;
	[tilespmem:$0x1D000] =	vst v63  }
0x45: {  	_ =	swait.ge [sflag:s18], $0x4000  }
0x46: {  	[sflag:s18] =	ssyncset.done $0x0  }
0x47: {  	s22 =	sadd.s32 $0x2800, s22;
	[sflag:s18] =	ssyncadd.s32 $0xFFFFC000  }
0x48: {  	[spmem:s3] =	stream.indirect.scatter.add.f32 [tilespmem:s14], [sflag:$0x2], $0x80, s22, s17, $0xb8;
	[tilespmem:$0x1D000] =	vst v63  }
0x49: {  	_ =	swait.ge [sflag:s15], $0x4000  }
0x4a: {  	s21 =	sadd.s32 $0x1, s21;
	[sflag:s15] =	ssyncset.done $0x0  }
0x4b: {  	p0 =	sne.s32 s21, s13;
	[sflag:s15] =	ssyncadd.s32 $0xFFFFC000  }
.Ltmp2:
0x4c: {  	[bflag:$0x0] =	sbarrier.arrive $0xFFFF;
	(pc) =	sbr.rel @p0 .LBB2_1-.Ltmp2, $4  }
0x4d: {  	[hbm:s12], [sflag:s19] =	dma.local [spmem:s20], $0x2800  }
0x4e: {  	_ =	swait.ge [sflag:s15], $0x2800  }
0x4f: {  	[sflag:s15] =	ssyncset.done $0x0  }
0x50: {  	[sflag:s15] =	ssyncadd.s32 $0xFFFFD800  }
0x51: {  	_ =	sfence.sel $0x180000  }
0x52: {  	[bflag:$0x0] =	sbarrier.arrive $0xFFFF  }
0x53: {  	p0 =	sne.s32 s0, $0x0;
	_ =	strace $0x9000004A  }
0x54: {  	s0 =	sadd.s32 @!p0 $0x100000, s1;
	[bflag:$0x2] =	sbarrier.arrive $0xFFFF  }
0x55: {  	[sflag:s0] =	ssyncadd.tile.s32 @!p0 $0x1;
	_ =	shalt  }
.Lfunc_end2:
_tile_overlayer_lowered:
.L_overlay_start_2:
0x56: {  	(tag) =	ssettag $0x2  }
0x57: {  	s0 =	rddreg [dreg:$0x0];
	s2 =	stileid.u32  }
0x58: {  	s1 =	rddreg [dreg:$0x1];
	p0 =	sne.s32 s2, $0x0  }
0x59: {  	s3 =	rddreg [dreg:$0x2];
	[bflag:$0x3] =	sbarrier.arrive $0xFFFF;
	s2 =	simm.s32 @!p0 $0x1C02  }
0x5a: {  	[timem:s3], [sflag:s2] =	dma.local @!p0 [hbm:s0], s1  }
0x5b: {  	s0 =	simm.s32 @!p0 $0x2  }
0x5c: {  	_ =	swait.ge @!p0 [sflag:s0], s1  }
0x5d: {  	s1 =	ssub.s32 @!p0 $0x0, s1;
	[sflag:s0] =	ssyncset.done @!p0 $0x0  }
0x5e: {  	[sflag:s0] =	ssyncadd.s32 @!p0 s1  }
0x5f: {  	[bflag:$0x3] =	sbarrier.arrive $0xFFFF  }
0x60: {  	_ =	shalt  }

// kernel: kernel.21.cloned.1.call-start
scs
__scs_entry_jumppad:
0x0: {  	(pc) =	sbr.rel $0x88, $3  }
0x1: {  	(tag) =	ssettag $0x0;
	lr =	simm.s32 $0x1  }
0x2: {  	[smem:$0x3F90] =	sst lr;
	_ =	strace $0xD0000000  }
0x3: {  	_ = 	snop  }
0x4: {  	_ = 	snop  }
0x5: {  	_ = 	snop  }
0x6: {  	_ = 	snop  }
0x7: {  	_ = 	snop  }
__scs_overlays_trampoline_lowered:
0x8: {  	[smem:$0x3F9F] =	sst s0  }
0x9: {  	[smem:$0x3FA0] =	sst s1  }
0xa: {  	[smem:$0x3FA1] =	sst s2  }
0xb: {  	[smem:$0x3FA2] =	sst s3  }
0xc: {  	[smem:$0x3FA3] =	sst s4  }
0xd: {  	[smem:$0x3FA4] =	sst s5  }
0xe: {  	[smem:$0x3FA5] =	sst s6  }
0xf: {  	[smem:$0x3FA6] =	sst s7  }
0x10: {  	[smem:$0x3FA7] =	sst s8  }
0x11: {  	[smem:$0x3FA8] =	sst s9;
	s0 =	simm.s32 @!p0 $0x0  }
0x12: {  	s1 =	sld [smem:$0x3F8E];
	s0 =	simm.s32 @p0 $0x1  }
0x13: {  	[smem:$0x3FA9] =	sst s0;
	s0 =	simm.s32 @!p1 $0x0  }
0x14: {  	s2 =	sld [smem:$0x3F8D];
	s0 =	simm.s32 @p1 $0x1  }
0x15: {  	[smem:$0x3FAA] =	sst s0;
	s0 =	simm.s32 @!p2 $0x0  }
0x16: {  	s3 =	sld [smem:$0x3FDB];
	s0 =	simm.s32 @p2 $0x1  }
0x17: {  	s4 =	simm.s32 $0x1BF5;
	[smem:$0x3FAC] =	sst s0  }
0x18: {  	s0 =	sld [smem:$0x3F8F];
	_ =	swait.ge [sflag:s4], $0x0  }
0x19: {  	s7 =	sld [smem:$0x3F90]  }
0x1a: {  	s8 =	sadd.s32 $0xFFFFE003, lr  }
0x1b: {  	s9 =	sadd.s32 $0xFFFFFEF7, lr;
	s5 =	simm.s32 $0xFFFFFFFF;
	p2 =	slt.u32 s8, $0xFFFFF086  }
0x1c: {  	p1 =	slt.u32 s9, $0xF7A;
	s5 =	simm.s32 @!p2 $0x0  }
0x1d: {  	s5 =	simm.s32 @p1 $0x1;
	p0 =	seq.s32 s7, s2  }
0x1e: {  	s7 =	smul.u32 @!p0 $0xF7A, s2;
	p2 =	seq.s32 @!p0 s5, $0x0  }
0x1f: {  	s9 =	smul.u32 $0xF7A, s1;
	s8 =	simm.s32 @!p0 $0x1BF5;
	p2 =	por !p2, p0  }
0x20: {  	[sflag:s8] =	ssyncset.s32 @!p0 $0xFFFFF086;
	s6 =	sadd.s32 @!p0 s3, s7;
	s7 =	simm.s32 @!p0 $0x108  }
0x21: {  	s3 =	sadd.s32 s3, s9;
	s6 =	sadd.s32 @!p0 $0x88, s6;
	s7 =	simm.s32 @p2 $0x1082  }
0x22: {  	[simem:s7], [sflag:s8] =	dma.local @!p0 [hbm:s6], $0xF7A  }
0x23: {  	s9 =	sor.u32 $0xD0000000, s2;
	s6 =	simm.s32 $0x108;
	_ =	swait.ge @!p0 [sflag:s8], $0x0  }
0x24: {  	s3 =	sadd.s32 $0x88, s3;
	s6 =	simm.s32 @!p1 $0x1082;
	[sflag:s4] =	ssyncset.s32 $0xFFFFF086  }
0x25: {  	[simem:s6], [sflag:s4] =	dma.local [hbm:s3], $0xF7A  }
0x26: {  	[smem:$0x3F90] =	sst s1;
	(tag) =	ssettag s2;
	_ =	strace s9  }
0x27: {  	s1 =	sld [smem:$0x3FA0]  }
0x28: {  	s2 =	sld [smem:$0x3FA1]  }
0x29: {  	s4 =	sld [smem:$0x3FA3]  }
0x2a: {  	p0 =	seq.s32 s5, $0x0;
	s5 =	sld [smem:$0x3FA4]  }
0x2b: {  	s6 =	sld [smem:$0x3FA5]  }
0x2c: {  	s7 =	sld [smem:$0x3FA6]  }
0x2d: {  	s3 =	simm.s32 $0x108;
	s8 =	sld [smem:$0x3FA7]  }
0x2e: {  	s3 =	simm.s32 @!p0 $0x1082;
	s9 =	sld [smem:$0x3FA8]  }
0x2f: {  	lr =	sadd.s32 s0, s3;
	s0 =	sld [smem:$0x3F9F]  }
0x30: {  	s3 =	sld [smem:$0x3FA2]  }
0x31: {  	[smem:$0x3FAB] =	sst s10  }
0x32: {  	s10 =	sld [smem:$0x3FA9];
	_ =	sdelay $0x3  }
0x33: {  	p0 =	seq.s32 s10, $0x1;
	s10 =	sld [smem:$0x3FAB];
	_ =	sdelay $0x3  }
0x34: {  	[smem:$0x3FAB] =	sst s10  }
0x35: {  	s10 =	sld [smem:$0x3FAA];
	_ =	sdelay $0x3  }
0x36: {  	p1 =	seq.s32 s10, $0x1;
	s10 =	sld [smem:$0x3FAB];
	_ =	sdelay $0x3  }
0x37: {  	[smem:$0x3FAB] =	sst s10  }
0x38: {  	s10 =	sld [smem:$0x3FAC]  }
0x39: {  	_ = 	snop;
	(pc) =	sbr.ind lr, $3  }
0x3a: {  	_ = 	snop  }
0x3b: {  	_ = 	snop  }
0x3c: {  	p2 =	seq.s32 s10, $0x1;
	s10 =	sld [smem:$0x3FAB]  }
0x3d: {  	_ =	shalt  }
0x3e: {  	_ =	shalt  }
0x3f: {  	_ =	shalt  }
0x40: {  	_ =	shalt  }
0x41: {  	_ =	shalt  }
0x42: {  	_ =	shalt  }
0x43: {  	_ =	shalt  }
0x44: {  	_ =	shalt  }
0x45: {  	_ =	shalt  }
0x46: {  	_ =	shalt  }
0x47: {  	_ =	shalt  }
0x48: {  	_ =	shalt  }
0x49: {  	_ =	shalt  }
0x4a: {  	_ =	shalt  }
0x4b: {  	_ =	shalt  }
0x4c: {  	_ =	shalt  }
0x4d: {  	_ =	shalt  }
0x4e: {  	_ =	shalt  }
0x4f: {  	_ =	shalt  }
0x50: {  	_ =	shalt  }
0x51: {  	_ =	shalt  }
0x52: {  	_ =	shalt  }
0x53: {  	_ =	shalt  }
0x54: {  	_ =	shalt  }
0x55: {  	_ =	shalt  }
0x56: {  	_ =	shalt  }
0x57: {  	_ =	shalt  }
0x58: {  	_ =	shalt  }
0x59: {  	_ =	shalt  }
0x5a: {  	_ =	shalt  }
0x5b: {  	_ =	shalt  }
0x5c: {  	_ =	shalt  }
0x5d: {  	_ =	shalt  }
0x5e: {  	_ =	shalt  }
0x5f: {  	_ =	shalt  }
0x60: {  	_ =	shalt  }
0x61: {  	_ =	shalt  }
0x62: {  	_ =	shalt  }
0x63: {  	_ =	shalt  }
0x64: {  	_ =	shalt  }
0x65: {  	_ =	shalt  }
0x66: {  	_ =	shalt  }
0x67: {  	_ =	shalt  }
0x68: {  	_ =	shalt  }
0x69: {  	_ =	shalt  }
0x6a: {  	_ =	shalt  }
0x6b: {  	_ =	shalt  }
0x6c: {  	_ =	shalt  }
0x6d: {  	_ =	shalt  }
0x6e: {  	_ =	shalt  }
0x6f: {  	_ =	shalt  }
0x70: {  	_ =	shalt  }
0x71: {  	_ =	shalt  }
0x72: {  	_ =	shalt  }
0x73: {  	_ =	shalt  }
0x74: {  	_ =	shalt  }
0x75: {  	_ =	shalt  }
0x76: {  	_ =	shalt  }
0x77: {  	_ =	shalt  }
0x78: {  	_ =	shalt  }
0x79: {  	_ =	shalt  }
0x7a: {  	_ =	shalt  }
0x7b: {  	_ =	shalt  }
0x7c: {  	_ =	shalt  }
0x7d: {  	_ =	shalt  }
0x7e: {  	_ =	shalt  }
0x7f: {  	_ =	shalt  }
0x80: {  	_ =	shalt  }
0x81: {  	_ =	shalt  }
0x82: {  	_ =	shalt  }
0x83: {  	_ =	shalt  }
0x84: {  	_ =	shalt  }
0x85: {  	_ =	shalt  }
0x86: {  	_ =	shalt  }
0x87: {  	_ =	shalt  }
.Lfunc_end0:
.L_simem_size_0:
called_computation.2_lowered:
.L_overlay_start_0:
0x88: {  	s2 =	sld [smem:$0x3FD9]  }
0x89: {  	s3 =	sld [smem:$0x3FFE];
	_ =	sdelay $0x1  }
0x8a: {  	s1 =	srdreg.scid  }
0x8b: {  	s0 =	sand.u32 $0x1, s1  }
0x8c: {  	s14 =	sshll.u32 s0, $0xA;
	s2 =	sadd.s32 s3, s2  }
0x8d: {  	s2 =	sadd.s32 s2, s14  }
0x8e: {  	[smem:$0x3FB7] =	sst s2  }
0x8f: {  	_ = 	snop  }
0x90: {  	s2 =	sld [smem:$0x3FD0];
	_ =	sdelay $0x2  }
0x91: {  	s15 =	simm.s32 $0xA;
	s4 =	simm.s32 $0x10  }
0x92: {  	[smem:s4], [sflag:s15] =	dma.local [hbm:s2], $0x1  }
0x93: {  	_ =	swait.eq [sflag:s15], $0x1  }
0x94: {  	[sflag:s15] =	ssyncset.done $0x0  }
0x95: {  	[sflag:s15] =	ssyncadd.s32 $0xFFFFFFFF  }
0x96: {  	s16 =	sld [smem:$0x10];
	(tm) =	ssettm $0x1  }
0x97: {  	s17 =	sld [smem:$0x3FFB];
	_ =	sdelay $0x3  }
0x98: {  	_ =	strace s17  }
0x99: {  	s3 =	sld [smem:$0x3FFC];
	_ =	sdelay $0x3  }
0x9a: {  	_ =	strace s3  }
0x9b: {  	s3 =	sld [smem:$0x3FFD];
	_ =	sdelay $0x3  }
0x9c: {  	_ =	strace s3  }
0x9d: {  	_ =	strace $0x8FFFFFFF  }
0x9e: {  	s18 =	sld [smem:$0x3FDB];
	_ =	sdelay $0x1  }
0x9f: {  	s19 =	simm.s32 $_scs_section_size  }
0xa0: {  	s5 =	simm.s32 $_size__tile_overlayer_lowered;
	s6 =	simm.s32 $_tile_overlayer_lowered  }
0xa1: {  	s22 =	simm.s32 $0x1BFF;
	s21 =	sshll.u32 s6, $0x1;
	s3 =	sadd.s32 s19, s18  }
0xa2: {  	s7 =	simm.s32 $0x0;
	s20 =	sshll.u32 s5, $0x1;
	s5 =	sadd.s32 s21, s3  }
0xa3: {  	[timem:s7], [sflag:s22] =	dma.local [hbm:s5], s20  }
0xa4: {  	_ =	swait.ge [sflag:s22], s20  }
0xa5: {  	s4 =	ssub.s32 $0x0, s20;
	[sflag:s22] =	ssyncset.done $0x0  }
0xa6: {  	[sflag:s22] =	ssyncadd.s32 s4;
	_ =	sdelay $0x1  }
0xa7: {  	s23 =	simm.s32 $0x1B8B  }
0xa8: {  	_ =	swait.ge [sflag:s23], $0x1  }
0xa9: {  	[sflag:s23] =	ssyncset.done $0x0  }
0xaa: {  	s25 =	simm.s32 $0x1B8E;
	s24 =	sld [smem:$0x3FFE];
	[sflag:s23] =	ssyncadd.s32 $0xFFFFFFFF  }
0xab: {  	s26 =	simm.s32 $execute0_lowered;
	[smem:$0x3FD2] =	sst s25  }
0xac: {  	s5 =	sshll.u32 s26, $0x1;
	_ =	strace $0x8000004C;
	[dreg:$0x1] =	wrdreg $0xFFFFFFFF  }
0xad: {  	s28 =	simm.s32 $_size_execute0_lowered;
	s3 =	sadd.s32 s3, s5;
	[dreg:$0x0] =	wrdreg $0x0  }
0xae: {  	s5 =	sshll.u32 s28, $0x1;
	[dreg:$0x2] =	wrdreg s3  }
0xaf: {  	[dreg:$0x3] =	wrdreg s5  }
0xb0: {  	[dreg:$0x4] =	wrdreg $0xC0  }
0xb1: {  	_ =	task [dreg:s7], $0x5FFFF  }
0xb2: {  	[dreg:$0x1] =	wrdreg $0xFFFFFFFF  }
0xb3: {  	[dreg:$0x0] =	wrdreg $0x60  }
0xb4: {  	[dreg:$0x2] =	wrdreg s16  }
0xb5: {  	[dreg:$0x3] =	wrdreg s24  }
0xb6: {  	[dreg:$0x4] =	wrdreg $0x90000  }
0xb7: {  	[dreg:$0x5] =	wrdreg $0x9  }
0xb8: {  	_ =	task.clear_ibuf [dreg:s7], $0x6FFFF;
	_ =	strace $0x9000004C  }
0xb9: {  	s29 =	simm.s32 $0x9;
	_ =	strace $0x8000004E  }
0xba: {  	_ =	swait.ge [sflag:s29], $0x1  }
0xbb: {  	[sflag:s29] =	ssyncadd.s32 $0xFFFFFFFF  }
0xbc: {  	_ =	strace $0x9000004E  }
0xbd: {  	_ =	sfence  }
0xbe: {  	s30 =	sld [smem:$0x0];
	_ =	sdelay $0x2  }
0xbf: {  	s31 =	sshll.u32 s1, $0xD;
	s1 =	sshrl.u32 s1, $0x2  }
0xc0: {  	s3 =	sand.u32 $0x4000, s31;
	s1 =	sadd.s32 s1, s30  }
0xc1: {  	s0 =	sor.u32 s3, s0;
	s1 =	sshll.u32 s1, $0x11  }
0xc2: {  	s0 =	sor.u32 s1, s0  }
0xc3: {  	s0 =	sadd.s32 $0x8F2B, s0  }
0xc4: {  	[sflag:s0] =	ssyncadd.remote.s32 $0x1  }
0xc5: {  	_ =	sfence.sel $0xFFFF  }
0xc6: {  	[dreg:$0x0] =	wrdreg $0xFFFFFFFF;
	(pc) =	sbr.abs _section_cstart, $3  }
0xc7: {  	[dreg:$0x1] =	wrdreg $0xFFFFFFFF  }
0xc8: {  	_ =	task.clear_ibuf [dreg:s7], $0x2FFFF;
	_ =	strace $0x9FFFFFFF  }
0xc9: {  	(tm) =	ssettm $0x7FFFFFFF  }
tec
execute0_lowered:
.L_overlay_start_1:
0x0: {  	(tag) =	ssettag $0x1  }
0x1: {  	s2 =	rddreg [dreg:$0x0]  }
0x2: {  	s1 =	srdreg.scid;
	s6 =	rddreg [dreg:$0x1]  }
0x3: {  	s0 =	stileid.u32;
	s3 =	rddreg [dreg:$0x2];
	s4 =	simm.s32 $0x0  }
0x4: {  	s14 =	simm.s32 $0x5000;
	s15 =	simm.s32 $0x2;
	s16 =	simm.s32 $0x2800  }
0x5: {  	s17 =	simm.s32 $0x80;
	s18 =	simm.s32 $0x1;
	s21 =	simm.s32 $0x0  }
0x6: {  	s5 =	sand.u32 $0x1, s1;
	s26 =	sshll.u32 s0, $0x1;
	s9 =	smul.u32 $0x14000, s0  }
0x7: {  	[smem:$0x7FF] =	sst s4;
	s10 =	smul.u32 $0x50000, s0;
	s19 =	sshll.u32 s0, $0x6  }
0x8: {  	s1 =	sor.u32 s5, s26;
	s8 =	smul.u32 $0x140000, s5;
	s29 =	ssub.s32 $0x2, s5  }
0x9: {  	s19 =	sor.u32 $0x1C02, s19;
	s7 =	smul.u32 $0x500, s1;
	s1 =	rddreg [dreg:$0x3]  }
0xa: {  	_ =	strace $0x8000004D;
	s30 =	sshrl.u32 s10, $0x2;
	s31 =	sshrl.u32 s29, $0x1  }
0xb: {  	s28 =	sadd.s32 s9, s8;
	s5 =	sadd.s32 s30, s3;
	s13 =	ssub.s32 s29, s31  }
0xc: {  	s11 =	sadd.s32 s7, s6;
	s7 =	sshrl.u32 s28, $0x3;
	s8 =	sadd.s32 $0xC000, s5  }
0xd: {  	s9 =	sadd.s32 $0x10000, s5;
	s13 =	smax.u32 s13, $0x1;
	s20 =	sshrl.u32 s5, $0x3  }
0xe: {  	s12 =	sadd.s32 s7, s6;
	s6 =	sadd.s32 $0x4000, s5;
	s7 =	sadd.s32 $0x8000, s5  }
0xf: {  	v0 =	vimm.f32 $0.0e+00;
	s10 =	sadd.s32 $0x3A00, s11;
	s11 =	sadd.s32 $0xDA00, s11;
	s12 =	sadd.s32 $0x17A00, s12  }
.LBB2_1:
0x10: {  	s22 =	simm.s32 $0x10;
	s23 =	sand.u32 $0x3FF0, s4  }
.LBB2_2:
0x11: {  	p0 =	sne.s32 s22, $0x3FF0;
	[tilespmem:s23+$0x5000] =	vst v0;
	s23 =	smov.u32 s22;
	s22 =	sadd.s32 $0x10, s22  }
.Ltmp0:
0x12: {  	(pc) =	sbr.rel @p0 .LBB2_2-.Ltmp0, $2  }
0x13: {  	_ =	sdelay $0x2  }
0x14: {  	s23 =	sand.u32 $0x3FF0, s23  }
0x15: {  	[tilespmem:s23+$0x5000] =	vst v0  }
0x16: {  	[spmem:s5] =	stream.linear.scatter [tilespmem:s14], [sflag:$0x2], $0x4000, $0x38;
	[tilespmem:$0x1D000] =	vst v63  }
0x17: {  	_ =	swait.ge [sflag:s15], $0x4000  }
0x18: {  	[sflag:s15] =	ssyncset.done $0x0  }
0x19: {  	[sflag:s15] =	ssyncadd.s32 $0xFFFFC000  }
0x1a: {  	[spmem:s6] =	stream.linear.scatter [tilespmem:s14], [sflag:$0x2], $0x4000, $0x38;
	[tilespmem:$0x1D000] =	vst v63  }
0x1b: {  	_ =	swait.ge [sflag:s15], $0x4000  }
0x1c: {  	[sflag:s15] =	ssyncset.done $0x0  }
0x1d: {  	[sflag:s15] =	ssyncadd.s32 $0xFFFFC000  }
0x1e: {  	[spmem:s7] =	stream.linear.scatter [tilespmem:s14], [sflag:$0x2], $0x4000, $0x38;
	[tilespmem:$0x1D000] =	vst v63  }
0x1f: {  	_ =	swait.ge [sflag:s15], $0x4000  }
0x20: {  	[sflag:s15] =	ssyncset.done $0x0  }
0x21: {  	[sflag:s15] =	ssyncadd.s32 $0xFFFFC000  }
0x22: {  	[spmem:s8] =	stream.linear.scatter [tilespmem:s14], [sflag:$0x2], $0x4000, $0x38;
	[tilespmem:$0x1D000] =	vst v63  }
0x23: {  	_ =	swait.ge [sflag:s15], $0x4000  }
0x24: {  	[sflag:s15] =	ssyncset.done $0x0  }
0x25: {  	[sflag:s15] =	ssyncadd.s32 $0xFFFFC000  }
0x26: {  	[spmem:s9] =	stream.linear.scatter [tilespmem:s14], [sflag:$0x2], $0x4000, $0x38;
	[tilespmem:$0x1D000] =	vst v63  }
0x27: {  	_ =	swait.ge [sflag:s15], $0x4000  }
0x28: {  	[sflag:s15] =	ssyncset.done $0x0  }
0x29: {  	s22 =	simm.s32 $0x0;
	[sflag:s15] =	ssyncadd.s32 $0xFFFFC000  }
0x2a: {  	[tilespmem:s22], [sflag:$0x2] =	stream.linear.gather [hbm4b:s10+s22], $0x2780, $0x38;
	[tilespmem:$0x1D000] =	vst v63  }
0x2b: {  	_ =	swait.ge [sflag:s15], $0x2780  }
0x2c: {  	[sflag:s15] =	ssyncset.done $0x0  }
0x2d: {  	[sflag:s15] =	ssyncadd.s32 $0xFFFFD880  }
0x2e: {  	[tilespmem:s16], [sflag:$0x2] =	stream.linear.gather [hbm4b:s11+s22], $0x2780, $0x38;
	[tilespmem:$0x1D000] =	vst v63  }
0x2f: {  	_ =	swait.ge [sflag:s15], $0x2780  }
0x30: {  	[sflag:s15] =	ssyncset.done $0x0  }
0x31: {  	[sflag:s15] =	ssyncadd.s32 $0xFFFFD880  }
0x32: {  	s30 =	simm.s32 $0x0;
	[bflag:$0x0] =	sbarrier.arrive $0xFFFF  }
0x33: {  	[tilespmem:s14], [sflag:$0x1] =	stream.indirect.gather [hbm4b:s2+s17], $0x80, s30, s17, $0xb8;
	[tilespmem:$0x1D000] =	vst v63  }
0x34: {  	_ =	swait.ge [sflag:s18], $0x4000  }
0x35: {  	[sflag:s18] =	ssyncset.done $0x0  }
0x36: {  	s31 =	simm.s32 $0x2800;
	[sflag:s18] =	ssyncadd.s32 $0xFFFFC000  }
0x37: {  	[spmem:s3] =	stream.indirect.scatter.add.f32 [tilespmem:s14], [sflag:$0x2], $0x80, s31, s17, $0xb8;
	[tilespmem:$0x1D000] =	vst v63  }
0x38: {  	_ =	swait.ge [sflag:s15], $0x4000  }
0x39: {  	s23 =	simm.s32 $0x400;
	s22 =	simm.s32 $0x200;
	[sflag:s15] =	ssyncset.done $0x0  }
.LBB2_4:
0x3a: {  	s24 =	sshra.s32 s22, $0x2  }
0x3b: {  	[sflag:s15] =	ssyncadd.s32 $0xFFFFC000;
	s22 =	smov.u32 s23;
	s25 =	sadd.s32 $0x200, s23  }
0x3c: {  	[tilespmem:s14], [sflag:$0x1] =	stream.indirect.gather [hbm4b:s2+s17], $0x80, s24, s17, $0xb8;
	[tilespmem:$0x1D000] =	vst v63  }
0x3d: {  	p0 =	sne.s32 s23, $0x9C00;
	_ =	swait.ge [sflag:s18], $0x4000  }
.Ltmp1:
0x3e: {  	[sflag:s18] =	ssyncset.done $0x0;
	(pc) =	sbr.rel @p0 .LBB2_4-.Ltmp1, $4  }
0x3f: {  	s23 =	sadd.s32 $0x2800, s24;
	[sflag:s18] =	ssyncadd.s32 $0xFFFFC000  }
0x40: {  	[spmem:s3] =	stream.indirect.scatter.add.f32 [tilespmem:s14], [sflag:$0x2], $0x80, s23, s17, $0xb8;
	[tilespmem:$0x1D000] =	vst v63  }
0x41: {  	_ =	swait.ge [sflag:s15], $0x4000  }
0x42: {  	s23 =	smov.u32 s25;
	[sflag:s15] =	ssyncset.done $0x0  }
0x43: {  	s22 =	sshra.s32 s22, $0x2;
	[sflag:s15] =	ssyncadd.s32 $0xFFFFC000  }
0x44: {  	[tilespmem:s14], [sflag:$0x1] =	stream.indirect.gather [hbm4b:s2+s17], $0x80, s22, s17, $0xb8;
	[tilespmem:$0x1D000] =	vst v63  }
0x45: {  	_ =	swait.ge [sflag:s18], $0x4000  }
0x46: {  	[sflag:s18] =	ssyncset.done $0x0  }
0x47: {  	s22 =	sadd.s32 $0x2800, s22;
	[sflag:s18] =	ssyncadd.s32 $0xFFFFC000  }
0x48: {  	[spmem:s3] =	stream.indirect.scatter.add.f32 [tilespmem:s14], [sflag:$0x2], $0x80, s22, s17, $0xb8;
	[tilespmem:$0x1D000] =	vst v63  }
0x49: {  	_ =	swait.ge [sflag:s15], $0x4000  }
0x4a: {  	s21 =	sadd.s32 $0x1, s21;
	[sflag:s15] =	ssyncset.done $0x0  }
0x4b: {  	p0 =	sne.s32 s21, s13;
	[sflag:s15] =	ssyncadd.s32 $0xFFFFC000  }
.Ltmp2:
0x4c: {  	[bflag:$0x0] =	sbarrier.arrive $0xFFFF;
	(pc) =	sbr.rel @p0 .LBB2_1-.Ltmp2, $4  }
0x4d: {  	[hbm:s12], [sflag:s19] =	dma.local [spmem:s20], $0x2800  }
0x4e: {  	_ =	swait.ge [sflag:s15], $0x2800  }
0x4f: {  	[sflag:s15] =	ssyncset.done $0x0  }
0x50: {  	[sflag:s15] =	ssyncadd.s32 $0xFFFFD800  }
0x51: {  	_ =	sfence.sel $0x180000  }
0x52: {  	[bflag:$0x0] =	sbarrier.arrive $0xFFFF  }
0x53: {  	p0 =	sne.s32 s0, $0x0;
	_ =	strace $0x9000004D  }
0x54: {  	s0 =	sadd.s32 @!p0 $0x100000, s1;
	[bflag:$0x2] =	sbarrier.arrive $0xFFFF  }
0x55: {  	[sflag:s0] =	ssyncadd.tile.s32 @!p0 $0x1;
	_ =	shalt  }
.Lfunc_end2:
_tile_overlayer_lowered:
.L_overlay_start_2:
0x56: {  	(tag) =	ssettag $0x2  }
0x57: {  	s0 =	rddreg [dreg:$0x0];
	s2 =	stileid.u32  }
0x58: {  	s1 =	rddreg [dreg:$0x1];
	p0 =	sne.s32 s2, $0x0  }
0x59: {  	s3 =	rddreg [dreg:$0x2];
	[bflag:$0x3] =	sbarrier.arrive $0xFFFF;
	s2 =	simm.s32 @!p0 $0x1C02  }
0x5a: {  	[timem:s3], [sflag:s2] =	dma.local @!p0 [hbm:s0], s1  }
0x5b: {  	s0 =	simm.s32 @!p0 $0x2  }
0x5c: {  	_ =	swait.ge @!p0 [sflag:s0], s1  }
0x5d: {  	s1 =	ssub.s32 @!p0 $0x0, s1;
	[sflag:s0] =	ssyncset.done @!p0 $0x0  }
0x5e: {  	[sflag:s0] =	ssyncadd.s32 @!p0 s1  }
0x5f: {  	[bflag:$0x3] =	sbarrier.arrive $0xFFFF  }
0x60: {  	_ =	shalt  }

</sc_bundles>
